<compile_context>
chip_gen: v7x
topology: tpu7x:2x2x1
jax: 0.10.2.dev20260603
libtpu: 0.0.44.dev20260713+nightly
codegen_flags: <defaults>
</compile_context>

<pallas_src>
import functools

import jax
import jax.numpy as jnp
from jax import lax
from jax.experimental import pallas as pl
from jax.experimental.pallas import tpu as pltpu
from jax.experimental.pallas import tpu_sc as plsc

D_MODEL = 1024
MAXLEN = 4096
NUM_ROWS = 4 * 4096
NC, NS, LANES = 2, 16, 16
NW = NC * NS
B_PER_W = NUM_ROWS // NW
CHUNK = 16
NCHUNK = B_PER_W // CHUNK
NBUF = 7
WINDOW = 4


def _sc_gather(idx, table):
    mesh = plsc.VectorSubcoreMesh(core_axis_name="c", subcore_axis_name="s")

    @functools.partial(
        pl.kernel,
        mesh=mesh,
        out_type=jax.ShapeDtypeStruct((NUM_ROWS, 8, 128), jnp.float32),
        scratch_types=[
            pltpu.VMEM((NCHUNK, CHUNK), jnp.int32),
            pltpu.VMEM((NBUF, CHUNK, 8, 128), jnp.float32),
            pltpu.SemaphoreType.DMA((NBUF,)),
            pltpu.SemaphoreType.DMA((NBUF,)),
        ],
    )
    def body(idx_hbm, table_hbm, out_hbm, idx_v, rows_v, g_sem, w_sem):
        wid = lax.axis_index("s") * NC + lax.axis_index("c")
        base = wid * B_PER_W

        pltpu.sync_copy(idx_hbm.at[wid], idx_v)

        for c in range(NCHUNK):
            for j in range(CHUNK // LANES):
                v = idx_v[c, pl.ds(j * LANES, LANES)]
                v = jnp.minimum(jnp.maximum(v, -MAXLEN), MAXLEN - 1) + MAXLEN
                idx_v[c, pl.ds(j * LANES, LANES)] = v

        def fire_gather(c):
            b = c % NBUF
            return pltpu.async_copy(
                table_hbm.at[idx_v.at[c]], rows_v.at[b], g_sem.at[b])

        gathers = {}
        writes = {}
        unwaited_writes = []
        for c in range(min(WINDOW, NCHUNK)):
            gathers[c] = fire_gather(c)
        for c in range(NCHUNK):
            b = c % NBUF
            gathers[c].wait()
            writes[c] = pltpu.async_copy(
                rows_v.at[b],
                out_hbm.at[pl.ds(base + c * CHUNK, CHUNK)],
                w_sem.at[b])
            unwaited_writes.append(c)
            n = c + WINDOW
            if n < NCHUNK:
                prev = n - NBUF
                if prev >= 0:
                    writes[prev].wait()
                    unwaited_writes.remove(prev)
                gathers[n] = fire_gather(n)
        for c in unwaited_writes:
            writes[c].wait()

    return body(idx, table)


ROWS_PER_STEP = 128


def _tc_gather(idx, table3):
    grid = NUM_ROWS // ROWS_PER_STEP

    def body(s_ref, t_ref, o_ref):
        i = pl.program_id(0)
        for g in range(ROWS_PER_STEP // 8):
            rows = []
            for j in range(8):
                p = s_ref[i * ROWS_PER_STEP + g * 8 + j]
                p = jnp.minimum(jnp.maximum(p, -MAXLEN), MAXLEN - 1) + MAXLEN
                rows.append(t_ref[p])
            blk = jnp.stack(rows, axis=0).reshape(8, D_MODEL)
            o_ref[pl.ds(g * 8, 8), :] = blk

    grid_spec = pltpu.PrefetchScalarGridSpec(
        num_scalar_prefetch=1,
        grid=(grid,),
        in_specs=[
            pl.BlockSpec((2 * MAXLEN, 8, 128), lambda i, s: (0, 0, 0)),
        ],
        out_specs=pl.BlockSpec((ROWS_PER_STEP, D_MODEL), lambda i, s: (i, 0)),
    )
    return pl.pallas_call(
        body,
        grid_spec=grid_spec,
        out_shape=jax.ShapeDtypeStruct((NUM_ROWS, D_MODEL), jnp.float32),
        compiler_params=pltpu.CompilerParams(
            vmem_limit_bytes=100 * 1024 * 1024,
        ),
    )(idx, table3)


def kernel(pos_seq, pe_k):
    out = _tc_gather(pos_seq.reshape(NUM_ROWS),
                     pe_k.reshape(2 * MAXLEN, 8, 128))
    return out.reshape(pos_seq.shape[0], pos_seq.shape[1], D_MODEL)

# --- scband reference (transcript-rebuilt; emitter-appended) ---
"""Pipeline reference for scband-relative-positional-encoding-17660905521247 (READ-ONLY COPY).

The authoritative reference and input builder live on the scoring server;
editing this copy changes nothing except your own understanding.
"""

import jax, jax.numpy as jnp
import numpy as np

D_MODEL = 1024
MAXLEN = 4096


def setup_inputs(seed: int = 0) -> dict:
    key = jax.random.key(seed)
    k1, k2 = jax.random.split(key)
    # pos_seq: relative position indices; values in [0, 2*maxlen) so some hit the clamp path
    pos_seq = jax.random.randint(k1, (4, 4096), 0, 8192, dtype=jnp.int32)
    # learned parameter: pe_k embedding table of shape [2*maxlen, d_model]
    pe_k = jax.random.normal(k2, (2 * MAXLEN, D_MODEL), dtype=jnp.float32) * 0.02
    return {"pos_seq": pos_seq, "pe_k": pe_k}


def reference(pos_seq, pe_k):
    # clamp: pos_seq[pos_seq < -maxlen] = -maxlen; pos_seq[pos_seq >= maxlen] = maxlen - 1
    p = jnp.clip(pos_seq, -MAXLEN, MAXLEN - 1)
    p = p + MAXLEN
    # embedding lookup (embed_v=False branch returns (pe_k(pos_seq), None));
    # we return the single tensor output
    out = jnp.take(pe_k, p, axis=0)
    return out

if __name__ == "__main__":
    import jax
    _d = setup_inputs()
    print(jax.jit(kernel)(*tuple(_d.values())))

</pallas_src>

<mosaic_0001>
module attributes {stable_mosaic.version = 14 : i64} {
  func.func @body(%arg0: i32, %arg1: memref<16384xi32, #tpu.memory_space<smem>>, %arg2: memref<8192x8x128xf32, #tpu.memory_space<vmem>>, %arg3: memref<128x1024xf32, #tpu.memory_space<vmem>>) attributes {dimension_semantics = [#tpu.dimension_semantics<arbitrary>], iteration_bounds = array<i64: 128>, scalar_prefetch = 1 : i64, scratch_operands = 0 : i64, tpu.core_type = #tpu.core_type<tc>, window_params = [{pipeline_mode = #tpu.pipeline_mode<synchronous>, transform_indices = @transform_0, window_bounds = array<i64: 8192, 8, 128>}, {transform_indices = @transform_1, window_bounds = array<i64: 128, 1024>}]} {
    %mul3A = arith.constant 128 : i32
    %mul3A_0 = arith.muli %arg0, %mul3A : i32
    %add3A = arith.constant 0 : i32
    %add3A_1 = arith.addi %mul3A_0, %add3A : i32
    %add3A_2 = arith.constant 0 : i32
    %add3A_3 = arith.addi %add3A_1, %add3A_2 : i32
    %get3A = arith.index_cast %add3A_3 : i32 to index
    %get3A_4 = memref.load %arg1[%get3A] : memref<16384xi32, #tpu.memory_space<smem>>
    %max3A = arith.constant -4096 : i32
    %max3A_5 = arith.maxsi %get3A_4, %max3A : i32
    %min3A = arith.constant 4095 : i32
    %min3A_6 = arith.minsi %max3A_5, %min3A : i32
    %add3A_7 = arith.constant 4096 : i32
    %add3A_8 = arith.addi %min3A_6, %add3A_7 : i32
    %get3A_9 = arith.index_cast %add3A_8 : i32 to index
    %get3A_10 = arith.constant 0 : index
    %get3A_11 = arith.constant 0 : index
    %get3A_12 = vector.load %arg2[%get3A_9, %get3A_10, %get3A_11] : memref<8192x8x128xf32, #tpu.memory_space<vmem>>, vector<1x8x128xf32>
    %get3A_13 = vector.shape_cast %get3A_12 : vector<1x8x128xf32> to vector<8x128xf32>
    %mul3A_14 = arith.constant 128 : i32
    %mul3A_15 = arith.muli %arg0, %mul3A_14 : i32
    %add3A_16 = arith.constant 0 : i32
    %add3A_17 = arith.addi %mul3A_15, %add3A_16 : i32
    %add3A_18 = arith.constant 1 : i32
    %add3A_19 = arith.addi %add3A_17, %add3A_18 : i32
    %get3A_20 = arith.index_cast %add3A_19 : i32 to index
    %get3A_21 = memref.load %arg1[%get3A_20] : memref<16384xi32, #tpu.memory_space<smem>>
    %max3A_22 = arith.constant -4096 : i32
    %max3A_23 = arith.maxsi %get3A_21, %max3A_22 : i32
    %min3A_24 = arith.constant 4095 : i32
    %min3A_25 = arith.minsi %max3A_23, %min3A_24 : i32
    %add3A_26 = arith.constant 4096 : i32
    %add3A_27 = arith.addi %min3A_25, %add3A_26 : i32
    %get3A_28 = arith.index_cast %add3A_27 : i32 to index
    %get3A_29 = arith.constant 0 : index
    %get3A_30 = arith.constant 0 : index
    %get3A_31 = vector.load %arg2[%get3A_28, %get3A_29, %get3A_30] : memref<8192x8x128xf32, #tpu.memory_space<vmem>>, vector<1x8x128xf32>
    %get3A_32 = vector.shape_cast %get3A_31 : vector<1x8x128xf32> to vector<8x128xf32>
    %mul3A_33 = arith.constant 128 : i32
    %mul3A_34 = arith.muli %arg0, %mul3A_33 : i32
    %add3A_35 = arith.constant 0 : i32
    %add3A_36 = arith.addi %mul3A_34, %add3A_35 : i32
    %add3A_37 = arith.constant 2 : i32
    %add3A_38 = arith.addi %add3A_36, %add3A_37 : i32
    %get3A_39 = arith.index_cast %add3A_38 : i32 to index
    %get3A_40 = memref.load %arg1[%get3A_39] : memref<16384xi32, #tpu.memory_space<smem>>
    %max3A_41 = arith.constant -4096 : i32
    %max3A_42 = arith.maxsi %get3A_40, %max3A_41 : i32
    %min3A_43 = arith.constant 4095 : i32
    %min3A_44 = arith.minsi %max3A_42, %min3A_43 : i32
    %add3A_45 = arith.constant 4096 : i32
    %add3A_46 = arith.addi %min3A_44, %add3A_45 : i32
    %get3A_47 = arith.index_cast %add3A_46 : i32 to index
    %get3A_48 = arith.constant 0 : index
    %get3A_49 = arith.constant 0 : index
    %get3A_50 = vector.load %arg2[%get3A_47, %get3A_48, %get3A_49] : memref<8192x8x128xf32, #tpu.memory_space<vmem>>, vector<1x8x128xf32>
    %get3A_51 = vector.shape_cast %get3A_50 : vector<1x8x128xf32> to vector<8x128xf32>
    %mul3A_52 = arith.constant 128 : i32
    %mul3A_53 = arith.muli %arg0, %mul3A_52 : i32
    %add3A_54 = arith.constant 0 : i32
    %add3A_55 = arith.addi %mul3A_53, %add3A_54 : i32
    %add3A_56 = arith.constant 3 : i32
    %add3A_57 = arith.addi %add3A_55, %add3A_56 : i32
    %get3A_58 = arith.index_cast %add3A_57 : i32 to index
    %get3A_59 = memref.load %arg1[%get3A_58] : memref<16384xi32, #tpu.memory_space<smem>>
    %max3A_60 = arith.constant -4096 : i32
    %max3A_61 = arith.maxsi %get3A_59, %max3A_60 : i32
    %min3A_62 = arith.constant 4095 : i32
    %min3A_63 = arith.minsi %max3A_61, %min3A_62 : i32
    %add3A_64 = arith.constant 4096 : i32
    %add3A_65 = arith.addi %min3A_63, %add3A_64 : i32
    %get3A_66 = arith.index_cast %add3A_65 : i32 to index
    %get3A_67 = arith.constant 0 : index
    %get3A_68 = arith.constant 0 : index
    %get3A_69 = vector.load %arg2[%get3A_66, %get3A_67, %get3A_68] : memref<8192x8x128xf32, #tpu.memory_space<vmem>>, vector<1x8x128xf32>
    %get3A_70 = vector.shape_cast %get3A_69 : vector<1x8x128xf32> to vector<8x128xf32>
    %mul3A_71 = arith.constant 128 : i32
    %mul3A_72 = arith.muli %arg0, %mul3A_71 : i32
    %add3A_73 = arith.constant 0 : i32
    %add3A_74 = arith.addi %mul3A_72, %add3A_73 : i32
    %add3A_75 = arith.constant 4 : i32
    %add3A_76 = arith.addi %add3A_74, %add3A_75 : i32
    %get3A_77 = arith.index_cast %add3A_76 : i32 to index
    %get3A_78 = memref.load %arg1[%get3A_77] : memref<16384xi32, #tpu.memory_space<smem>>
    %max3A_79 = arith.constant -4096 : i32
    %max3A_80 = arith.maxsi %get3A_78, %max3A_79 : i32
    %min3A_81 = arith.constant 4095 : i32
    %min3A_82 = arith.minsi %max3A_80, %min3A_81 : i32
    %add3A_83 = arith.constant 4096 : i32
    %add3A_84 = arith.addi %min3A_82, %add3A_83 : i32
    %get3A_85 = arith.index_cast %add3A_84 : i32 to index
    %get3A_86 = arith.constant 0 : index
    %get3A_87 = arith.constant 0 : index
    %get3A_88 = vector.load %arg2[%get3A_85, %get3A_86, %get3A_87] : memref<8192x8x128xf32, #tpu.memory_space<vmem>>, vector<1x8x128xf32>
    %get3A_89 = vector.shape_cast %get3A_88 : vector<1x8x128xf32> to vector<8x128xf32>
    %mul3A_90 = arith.constant 128 : i32
    %mul3A_91 = arith.muli %arg0, %mul3A_90 : i32
    %add3A_92 = arith.constant 0 : i32
    %add3A_93 = arith.addi %mul3A_91, %add3A_92 : i32
    %add3A_94 = arith.constant 5 : i32
    %add3A_95 = arith.addi %add3A_93, %add3A_94 : i32
    %get3A_96 = arith.index_cast %add3A_95 : i32 to index
    %get3A_97 = memref.load %arg1[%get3A_96] : memref<16384xi32, #tpu.memory_space<smem>>
    %max3A_98 = arith.constant -4096 : i32
    %max3A_99 = arith.maxsi %get3A_97, %max3A_98 : i32
    %min3A_100 = arith.constant 4095 : i32
    %min3A_101 = arith.minsi %max3A_99, %min3A_100 : i32
    %add3A_102 = arith.constant 4096 : i32
    %add3A_103 = arith.addi %min3A_101, %add3A_102 : i32
    %get3A_104 = arith.index_cast %add3A_103 : i32 to index
    %get3A_105 = arith.constant 0 : index
    %get3A_106 = arith.constant 0 : index
    %get3A_107 = vector.load %arg2[%get3A_104, %get3A_105, %get3A_106] : memref<8192x8x128xf32, #tpu.memory_space<vmem>>, vector<1x8x128xf32>
    %get3A_108 = vector.shape_cast %get3A_107 : vector<1x8x128xf32> to vector<8x128xf32>
    %mul3A_109 = arith.constant 128 : i32
    %mul3A_110 = arith.muli %arg0, %mul3A_109 : i32
    %add3A_111 = arith.constant 0 : i32
    %add3A_112 = arith.addi %mul3A_110, %add3A_111 : i32
    %add3A_113 = arith.constant 6 : i32
    %add3A_114 = arith.addi %add3A_112, %add3A_113 : i32
    %get3A_115 = arith.index_cast %add3A_114 : i32 to index
    %get3A_116 = memref.load %arg1[%get3A_115] : memref<16384xi32, #tpu.memory_space<smem>>
    %max3A_117 = arith.constant -4096 : i32
    %max3A_118 = arith.maxsi %get3A_116, %max3A_117 : i32
    %min3A_119 = arith.constant 4095 : i32
    %min3A_120 = arith.minsi %max3A_118, %min3A_119 : i32
    %add3A_121 = arith.constant 4096 : i32
    %add3A_122 = arith.addi %min3A_120, %add3A_121 : i32
    %get3A_123 = arith.index_cast %add3A_122 : i32 to index
    %get3A_124 = arith.constant 0 : index
    %get3A_125 = arith.constant 0 : index
    %get3A_126 = vector.load %arg2[%get3A_123, %get3A_124, %get3A_125] : memref<8192x8x128xf32, #tpu.memory_space<vmem>>, vector<1x8x128xf32>
    %get3A_127 = vector.shape_cast %get3A_126 : vector<1x8x128xf32> to vector<8x128xf32>
    %mul3A_128 = arith.constant 128 : i32
    %mul3A_129 = arith.muli %arg0, %mul3A_128 : i32
    %add3A_130 = arith.constant 0 : i32
    %add3A_131 = arith.addi %mul3A_129, %add3A_130 : i32
    %add3A_132 = arith.constant 7 : i32
    %add3A_133 = arith.addi %add3A_131, %add3A_132 : i32
    %get3A_134 = arith.index_cast %add3A_133 : i32 to index
    %get3A_135 = memref.load %arg1[%get3A_134] : memref<16384xi32, #tpu.memory_space<smem>>
    %max3A_136 = arith.constant -4096 : i32
    %max3A_137 = arith.maxsi %get3A_135, %max3A_136 : i32
    %min3A_138 = arith.constant 4095 : i32
    %min3A_139 = arith.minsi %max3A_137, %min3A_138 : i32
    %add3A_140 = arith.constant 4096 : i32
    %add3A_141 = arith.addi %min3A_139, %add3A_140 : i32
    %get3A_142 = arith.index_cast %add3A_141 : i32 to index
    %get3A_143 = arith.constant 0 : index
    %get3A_144 = arith.constant 0 : index
    %get3A_145 = vector.load %arg2[%get3A_142, %get3A_143, %get3A_144] : memref<8192x8x128xf32, #tpu.memory_space<vmem>>, vector<1x8x128xf32>
    %get3A_146 = vector.shape_cast %get3A_145 : vector<1x8x128xf32> to vector<8x128xf32>
    %stack3A = vector.shape_cast %get3A_13 : vector<8x128xf32> to vector<1x8x128xf32>
    %stack3A_147 = vector.shape_cast %get3A_32 : vector<8x128xf32> to vector<1x8x128xf32>
    %stack3A_148 = vector.shape_cast %get3A_51 : vector<8x128xf32> to vector<1x8x128xf32>
    %stack3A_149 = vector.shape_cast %get3A_70 : vector<8x128xf32> to vector<1x8x128xf32>
    %stack3A_150 = vector.shape_cast %get3A_89 : vector<8x128xf32> to vector<1x8x128xf32>
    %stack3A_151 = vector.shape_cast %get3A_108 : vector<8x128xf32> to vector<1x8x128xf32>
    %stack3A_152 = vector.shape_cast %get3A_127 : vector<8x128xf32> to vector<1x8x128xf32>
    %stack3A_153 = vector.shape_cast %get3A_146 : vector<8x128xf32> to vector<1x8x128xf32>
    %stack3A_154 = tpu.concatenate %stack3A, %stack3A_147, %stack3A_148, %stack3A_149, %stack3A_150, %stack3A_151, %stack3A_152, %stack3A_153 in 0 : vector<1x8x128xf32>, vector<1x8x128xf32>, vector<1x8x128xf32>, vector<1x8x128xf32>, vector<1x8x128xf32>, vector<1x8x128xf32>, vector<1x8x128xf32>, vector<1x8x128xf32> -> vector<8x8x128xf32>
    %reshape3A = vector.shape_cast %stack3A_154 : vector<8x8x128xf32> to vector<8x1024xf32>
    %swap3A = arith.constant 0 : index
    %swap3A_155 = arith.constant 0 : index
    %swap3A_156 = vector.load %arg3[%swap3A, %swap3A_155] : memref<128x1024xf32, #tpu.memory_space<vmem>>, vector<8x1024xf32>
    tpu.vector_store %arg3[%swap3A, %swap3A_155], %reshape3A {strides = array<i32>} : memref<128x1024xf32, #tpu.memory_space<vmem>>, vector<8x1024xf32>,
    %mul3A_157 = arith.constant 128 : i32
    %mul3A_158 = arith.muli %arg0, %mul3A_157 : i32
    %add3A_159 = arith.constant 8 : i32
    %add3A_160 = arith.addi %mul3A_158, %add3A_159 : i32
    %add3A_161 = arith.constant 0 : i32
    %add3A_162 = arith.addi %add3A_160, %add3A_161 : i32
    %get3A_163 = arith.index_cast %add3A_162 : i32 to index
    %get3A_164 = memref.load %arg1[%get3A_163] : memref<16384xi32, #tpu.memory_space<smem>>
    %max3A_165 = arith.constant -4096 : i32
    %max3A_166 = arith.maxsi %get3A_164, %max3A_165 : i32
    %min3A_167 = arith.constant 4095 : i32
    %min3A_168 = arith.minsi %max3A_166, %min3A_167 : i32
    %add3A_169 = arith.constant 4096 : i32
    %add3A_170 = arith.addi %min3A_168, %add3A_169 : i32
    %get3A_171 = arith.index_cast %add3A_170 : i32 to index
    %get3A_172 = arith.constant 0 : index
    %get3A_173 = arith.constant 0 : index
    %get3A_174 = vector.load %arg2[%get3A_171, %get3A_172, %get3A_173] : memref<8192x8x128xf32, #tpu.memory_space<vmem>>, vector<1x8x128xf32>
    %get3A_175 = vector.shape_cast %get3A_174 : vector<1x8x128xf32> to vector<8x128xf32>
    %mul3A_176 = arith.constant 128 : i32
    %mul3A_177 = arith.muli %arg0, %mul3A_176 : i32
    %add3A_178 = arith.constant 8 : i32
    %add3A_179 = arith.addi %mul3A_177, %add3A_178 : i32
    %add3A_180 = arith.constant 1 : i32
    %add3A_181 = arith.addi %add3A_179, %add3A_180 : i32
    %get3A_182 = arith.index_cast %add3A_181 : i32 to index
    %get3A_183 = memref.load %arg1[%get3A_182] : memref<16384xi32, #tpu.memory_space<smem>>
    %max3A_184 = arith.constant -4096 : i32
    %max3A_185 = arith.maxsi %get3A_183, %max3A_184 : i32
    %min3A_186 = arith.constant 4095 : i32
    %min3A_187 = arith.minsi %max3A_185, %min3A_186 : i32
    %add3A_188 = arith.constant 4096 : i32
    %add3A_189 = arith.addi %min3A_187, %add3A_188 : i32
    %get3A_190 = arith.index_cast %add3A_189 : i32 to index
    %get3A_191 = arith.constant 0 : index
    %get3A_192 = arith.constant 0 : index
    %get3A_193 = vector.load %arg2[%get3A_190, %get3A_191, %get3A_192] : memref<8192x8x128xf32, #tpu.memory_space<vmem>>, vector<1x8x128xf32>
    %get3A_194 = vector.shape_cast %get3A_193 : vector<1x8x128xf32> to vector<8x128xf32>
    %mul3A_195 = arith.constant 128 : i32
    %mul3A_196 = arith.muli %arg0, %mul3A_195 : i32
    %add3A_197 = arith.constant 8 : i32
    %add3A_198 = arith.addi %mul3A_196, %add3A_197 : i32
    %add3A_199 = arith.constant 2 : i32
    %add3A_200 = arith.addi %add3A_198, %add3A_199 : i32
    %get3A_201 = arith.index_cast %add3A_200 : i32 to index
    %get3A_202 = memref.load %arg1[%get3A_201] : memref<16384xi32, #tpu.memory_space<smem>>
    %max3A_203 = arith.constant -4096 : i32
    %max3A_204 = arith.maxsi %get3A_202, %max3A_203 : i32
    %min3A_205 = arith.constant 4095 : i32
    %min3A_206 = arith.minsi %max3A_204, %min3A_205 : i32
    %add3A_207 = arith.constant 4096 : i32
    %add3A_208 = arith.addi %min3A_206, %add3A_207 : i32
    %get3A_209 = arith.index_cast %add3A_208 : i32 to index
    %get3A_210 = arith.constant 0 : index
    %get3A_211 = arith.constant 0 : index
    %get3A_212 = vector.load %arg2[%get3A_209, %get3A_210, %get3A_211] : memref<8192x8x128xf32, #tpu.memory_space<vmem>>, vector<1x8x128xf32>
    %get3A_213 = vector.shape_cast %get3A_212 : vector<1x8x128xf32> to vector<8x128xf32>
    %mul3A_214 = arith.constant 128 : i32
    %mul3A_215 = arith.muli %arg0, %mul3A_214 : i32
    %add3A_216 = arith.constant 8 : i32
    %add3A_217 = arith.addi %mul3A_215, %add3A_216 : i32
    %add3A_218 = arith.constant 3 : i32
    %add3A_219 = arith.addi %add3A_217, %add3A_218 : i32
    %get3A_220 = arith.index_cast %add3A_219 : i32 to index
    %get3A_221 = memref.load %arg1[%get3A_220] : memref<16384xi32, #tpu.memory_space<smem>>
    %max3A_222 = arith.constant -4096 : i32
    %max3A_223 = arith.maxsi %get3A_221, %max3A_222 : i32
    %min3A_224 = arith.constant 4095 : i32
    %min3A_225 = arith.minsi %max3A_223, %min3A_224 : i32
    %add3A_226 = arith.constant 4096 : i32
    %add3A_227 = arith.addi %min3A_225, %add3A_226 : i32
    %get3A_228 = arith.index_cast %add3A_227 : i32 to index
    %get3A_229 = arith.constant 0 : index
    %get3A_230 = arith.constant 0 : index
    %get3A_231 = vector.load %arg2[%get3A_228, %get3A_229, %get3A_230] : memref<8192x8x128xf32, #tpu.memory_space<vmem>>, vector<1x8x128xf32>
    %get3A_232 = vector.shape_cast %get3A_231 : vector<1x8x128xf32> to vector<8x128xf32>
    %mul3A_233 = arith.constant 128 : i32
    %mul3A_234 = arith.muli %arg0, %mul3A_233 : i32
    %add3A_235 = arith.constant 8 : i32
    %add3A_236 = arith.addi %mul3A_234, %add3A_235 : i32
    %add3A_237 = arith.constant 4 : i32
    %add3A_238 = arith.addi %add3A_236, %add3A_237 : i32
    %get3A_239 = arith.index_cast %add3A_238 : i32 to index
    %get3A_240 = memref.load %arg1[%get3A_239] : memref<16384xi32, #tpu.memory_space<smem>>
    %max3A_241 = arith.constant -4096 : i32
    %max3A_242 = arith.maxsi %get3A_240, %max3A_241 : i32
    %min3A_243 = arith.constant 4095 : i32
    %min3A_244 = arith.minsi %max3A_242, %min3A_243 : i32
    %add3A_245 = arith.constant 4096 : i32
    %add3A_246 = arith.addi %min3A_244, %add3A_245 : i32
    %get3A_247 = arith.index_cast %add3A_246 : i32 to index
    %get3A_248 = arith.constant 0 : index
    %get3A_249 = arith.constant 0 : index
    %get3A_250 = vector.load %arg2[%get3A_247, %get3A_248, %get3A_249] : memref<8192x8x128xf32, #tpu.memory_space<vmem>>, vector<1x8x128xf32>
    %get3A_251 = vector.shape_cast %get3A_250 : vector<1x8x128xf32> to vector<8x128xf32>
    %mul3A_252 = arith.constant 128 : i32
    %mul3A_253 = arith.muli %arg0, %mul3A_252 : i32
    %add3A_254 = arith.constant 8 : i32
    %add3A_255 = arith.addi %mul3A_253, %add3A_254 : i32
    %add3A_256 = arith.constant 5 : i32
    %add3A_257 = arith.addi %add3A_255, %add3A_256 : i32
    %get3A_258 = arith.index_cast %add3A_257 : i32 to index
    %get3A_259 = memref.load %arg1[%get3A_258] : memref<16384xi32, #tpu.memory_space<smem>>
    %max3A_260 = arith.constant -4096 : i32
    %max3A_261 = arith.maxsi %get3A_259, %max3A_260 : i32
    %min3A_262 = arith.constant 4095 : i32
    %min3A_263 = arith.minsi %max3A_261, %min3A_262 : i32
    %add3A_264 = arith.constant 4096 : i32
    %add3A_265 = arith.addi %min3A_263, %add3A_264 : i32
    %get3A_266 = arith.index_cast %add3A_265 : i32 to index
    %get3A_267 = arith.constant 0 : index
    %get3A_268 = arith.constant 0 : index
    %get3A_269 = vector.load %arg2[%get3A_266, %get3A_267, %get3A_268] : memref<8192x8x128xf32, #tpu.memory_space<vmem>>, vector<1x8x128xf32>
    %get3A_270 = vector.shape_cast %get3A_269 : vector<1x8x128xf32> to vector<8x128xf32>
    %mul3A_271 = arith.constant 128 : i32
    %mul3A_272 = arith.muli %arg0, %mul3A_271 : i32
    %add3A_273 = arith.constant 8 : i32
    %add3A_274 = arith.addi %mul3A_272, %add3A_273 : i32
    %add3A_275 = arith.constant 6 : i32
    %add3A_276 = arith.addi %add3A_274, %add3A_275 : i32
    %get3A_277 = arith.index_cast %add3A_276 : i32 to index
    %get3A_278 = memref.load %arg1[%get3A_277] : memref<16384xi32, #tpu.memory_space<smem>>
    %max3A_279 = arith.constant -4096 : i32
    %max3A_280 = arith.maxsi %get3A_278, %max3A_279 : i32
    %min3A_281 = arith.constant 4095 : i32
    %min3A_282 = arith.minsi %max3A_280, %min3A_281 : i32
    %add3A_283 = arith.constant 4096 : i32
    %add3A_284 = arith.addi %min3A_282, %add3A_283 : i32
    %get3A_285 = arith.index_cast %add3A_284 : i32 to index
    %get3A_286 = arith.constant 0 : index
    %get3A_287 = arith.constant 0 : index
    %get3A_288 = vector.load %arg2[%get3A_285, %get3A_286, %get3A_287] : memref<8192x8x128xf32, #tpu.memory_space<vmem>>, vector<1x8x128xf32>
    %get3A_289 = vector.shape_cast %get3A_288 : vector<1x8x128xf32> to vector<8x128xf32>
    %mul3A_290 = arith.constant 128 : i32
    %mul3A_291 = arith.muli %arg0, %mul3A_290 : i32
    %add3A_292 = arith.constant 8 : i32
    %add3A_293 = arith.addi %mul3A_291, %add3A_292 : i32
    %add3A_294 = arith.constant 7 : i32
    %add3A_295 = arith.addi %add3A_293, %add3A_294 : i32
    %get3A_296 = arith.index_cast %add3A_295 : i32 to index
    %get3A_297 = memref.load %arg1[%get3A_296] : memref<16384xi32, #tpu.memory_space<smem>>
    %max3A_298 = arith.constant -4096 : i32
    %max3A_299 = arith.maxsi %get3A_297, %max3A_298 : i32
    %min3A_300 = arith.constant 4095 : i32
    %min3A_301 = arith.minsi %max3A_299, %min3A_300 : i32
    %add3A_302 = arith.constant 4096 : i32
    %add3A_303 = arith.addi %min3A_301, %add3A_302 : i32
    %get3A_304 = arith.index_cast %add3A_303 : i32 to index
    %get3A_305 = arith.constant 0 : index
    %get3A_306 = arith.constant 0 : index
    %get3A_307 = vector.load %arg2[%get3A_304, %get3A_305, %get3A_306] : memref<8192x8x128xf32, #tpu.memory_space<vmem>>, vector<1x8x128xf32>
    %get3A_308 = vector.shape_cast %get3A_307 : vector<1x8x128xf32> to vector<8x128xf32>
    %stack3A_309 = vector.shape_cast %get3A_175 : vector<8x128xf32> to vector<1x8x128xf32>
    %stack3A_310 = vector.shape_cast %get3A_194 : vector<8x128xf32> to vector<1x8x128xf32>
    %stack3A_311 = vector.shape_cast %get3A_213 : vector<8x128xf32> to vector<1x8x128xf32>
    %stack3A_312 = vector.shape_cast %get3A_232 : vector<8x128xf32> to vector<1x8x128xf32>
    %stack3A_313 = vector.shape_cast %get3A_251 : vector<8x128xf32> to vector<1x8x128xf32>
    %stack3A_314 = vector.shape_cast %get3A_270 : vector<8x128xf32> to vector<1x8x128xf32>
    %stack3A_315 = vector.shape_cast %get3A_289 : vector<8x128xf32> to vector<1x8x128xf32>
    %stack3A_316 = vector.shape_cast %get3A_308 : vector<8x128xf32> to vector<1x8x128xf32>
    %stack3A_317 = tpu.concatenate %stack3A_309, %stack3A_310, %stack3A_311, %stack3A_312, %stack3A_313, %stack3A_314, %stack3A_315, %stack3A_316 in 0 : vector<1x8x128xf32>, vector<1x8x128xf32>, vector<1x8x128xf32>, vector<1x8x128xf32>, vector<1x8x128xf32>, vector<1x8x128xf32>, vector<1x8x128xf32>, vector<1x8x128xf32> -> vector<8x8x128xf32>
    %reshape3A_318 = vector.shape_cast %stack3A_317 : vector<8x8x128xf32> to vector<8x1024xf32>
    %swap3A_319 = arith.constant 8 : index
    %swap3A_320 = arith.constant 0 : index
    %swap3A_321 = vector.load %arg3[%swap3A_319, %swap3A_320] : memref<128x1024xf32, #tpu.memory_space<vmem>>, vector<8x1024xf32>
    tpu.vector_store %arg3[%swap3A_319, %swap3A_320], %reshape3A_318 {strides = array<i32>} : memref<128x1024xf32, #tpu.memory_space<vmem>>, vector<8x1024xf32>,
    %mul3A_322 = arith.constant 128 : i32
    %mul3A_323 = arith.muli %arg0, %mul3A_322 : i32
    %add3A_324 = arith.constant 16 : i32
    %add3A_325 = arith.addi %mul3A_323, %add3A_324 : i32
    %add3A_326 = arith.constant 0 : i32
    %add3A_327 = arith.addi %add3A_325, %add3A_326 : i32
    %get3A_328 = arith.index_cast %add3A_327 : i32 to index
    %get3A_329 = memref.load %arg1[%get3A_328] : memref<16384xi32, #tpu.memory_space<smem>>
    %max3A_330 = arith.constant -4096 : i32
    %max3A_331 = arith.maxsi %get3A_329, %max3A_330 : i32
    %min3A_332 = arith.constant 4095 : i32
    %min3A_333 = arith.minsi %max3A_331, %min3A_332 : i32
    %add3A_334 = arith.constant 4096 : i32
    %add3A_335 = arith.addi %min3A_333, %add3A_334 : i32
    %get3A_336 = arith.index_cast %add3A_335 : i32 to index
    %get3A_337 = arith.constant 0 : index
    %get3A_338 = arith.constant 0 : index
    %get3A_339 = vector.load %arg2[%get3A_336, %get3A_337, %get3A_338] : memref<8192x8x128xf32, #tpu.memory_space<vmem>>, vector<1x8x128xf32>
    %get3A_340 = vector.shape_cast %get3A_339 : vector<1x8x128xf32> to vector<8x128xf32>
    %mul3A_341 = arith.constant 128 : i32
    %mul3A_342 = arith.muli %arg0, %mul3A_341 : i32
    %add3A_343 = arith.constant 16 : i32
    %add3A_344 = arith.addi %mul3A_342, %add3A_343 : i32
    %add3A_345 = arith.constant 1 : i32
    %add3A_346 = arith.addi %add3A_344, %add3A_345 : i32
    %get3A_347 = arith.index_cast %add3A_346 : i32 to index
    %get3A_348 = memref.load %arg1[%get3A_347] : memref<16384xi32, #tpu.memory_space<smem>>
    %max3A_349 = arith.constant -4096 : i32
    %max3A_350 = arith.maxsi %get3A_348, %max3A_349 : i32
    %min3A_351 = arith.constant 4095 : i32
    %min3A_352 = arith.minsi %max3A_350, %min3A_351 : i32
    %add3A_353 = arith.constant 4096 : i32
    %add3A_354 = arith.addi %min3A_352, %add3A_353 : i32
    %get3A_355 = arith.index_cast %add3A_354 : i32 to index
    %get3A_356 = arith.constant 0 : index
    %get3A_357 = arith.constant 0 : index
    %get3A_358 = vector.load %arg2[%get3A_355, %get3A_356, %get3A_357] : memref<8192x8x128xf32, #tpu.memory_space<vmem>>, vector<1x8x128xf32>
    %get3A_359 = vector.shape_cast %get3A_358 : vector<1x8x128xf32> to vector<8x128xf32>
    %mul3A_360 = arith.constant 128 : i32
    %mul3A_361 = arith.muli %arg0, %mul3A_360 : i32
    %add3A_362 = arith.constant 16 : i32
    %add3A_363 = arith.addi %mul3A_361, %add3A_362 : i32
    %add3A_364 = arith.constant 2 : i32
    %add3A_365 = arith.addi %add3A_363, %add3A_364 : i32
    %get3A_366 = arith.index_cast %add3A_365 : i32 to index
    %get3A_367 = memref.load %arg1[%get3A_366] : memref<16384xi32, #tpu.memory_space<smem>>
    %max3A_368 = arith.constant -4096 : i32
    %max3A_369 = arith.maxsi %get3A_367, %max3A_368 : i32
    %min3A_370 = arith.constant 4095 : i32
    %min3A_371 = arith.minsi %max3A_369, %min3A_370 : i32
    %add3A_372 = arith.constant 4096 : i32
    %add3A_373 = arith.addi %min3A_371, %add3A_372 : i32
    %get3A_374 = arith.index_cast %add3A_373 : i32 to index
    %get3A_375 = arith.constant 0 : index
    %get3A_376 = arith.constant 0 : index
    %get3A_377 = vector.load %arg2[%get3A_374, %get3A_375, %get3A_376] : memref<8192x8x128xf32, #tpu.memory_space<vmem>>, vector<1x8x128xf32>
    %get3A_378 = vector.shape_cast %get3A_377 : vector<1x8x128xf32> to vector<8x128xf32>
    %mul3A_379 = arith.constant 128 : i32
    %mul3A_380 = arith.muli %arg0, %mul3A_379 : i32
    %add3A_381 = arith.constant 16 : i32
    %add3A_382 = arith.addi %mul3A_380, %add3A_381 : i32
    %add3A_383 = arith.constant 3 : i32
    %add3A_384 = arith.addi %add3A_382, %add3A_383 : i32
    %get3A_385 = arith.index_cast %add3A_384 : i32 to index
    %get3A_386 = memref.load %arg1[%get3A_385] : memref<16384xi32, #tpu.memory_space<smem>>
    %max3A_387 = arith.constant -4096 : i32
    %max3A_388 = arith.maxsi %get3A_386, %max3A_387 : i32
    %min3A_389 = arith.constant 4095 : i32
    %min3A_390 = arith.minsi %max3A_388, %min3A_389 : i32
    %add3A_391 = arith.constant 4096 : i32
    %add3A_392 = arith.addi %min3A_390, %add3A_391 : i32
    %get3A_393 = arith.index_cast %add3A_392 : i32 to index
    %get3A_394 = arith.constant 0 : index
    %get3A_395 = arith.constant 0 : index
    %get3A_396 = vector.load %arg2[%get3A_393, %get3A_394, %get3A_395] : memref<8192x8x128xf32, #tpu.memory_space<vmem>>, vector<1x8x128xf32>
    %get3A_397 = vector.shape_cast %get3A_396 : vector<1x8x128xf32> to vector<8x128xf32>
    %mul3A_398 = arith.constant 128 : i32
    %mul3A_399 = arith.muli %arg0, %mul3A_398 : i32
    %add3A_400 = arith.constant 16 : i32
    %add3A_401 = arith.addi %mul3A_399, %add3A_400 : i32
    %add3A_402 = arith.constant 4 : i32
    %add3A_403 = arith.addi %add3A_401, %add3A_402 : i32
    %get3A_404 = arith.index_cast %add3A_403 : i32 to index
    %get3A_405 = memref.load %arg1[%get3A_404] : memref<16384xi32, #tpu.memory_space<smem>>
    %max3A_406 = arith.constant -4096 : i32
    %max3A_407 = arith.maxsi %get3A_405, %max3A_406 : i32
    %min3A_408 = arith.constant 4095 : i32
    %min3A_409 = arith.minsi %max3A_407, %min3A_408 : i32
    %add3A_410 = arith.constant 4096 : i32
    %add3A_411 = arith.addi %min3A_409, %add3A_410 : i32
    %get3A_412 = arith.index_cast %add3A_411 : i32 to index
    %get3A_413 = arith.constant 0 : index
    %get3A_414 = arith.constant 0 : index
    %get3A_415 = vector.load %arg2[%get3A_412, %get3A_413, %get3A_414] : memref<8192x8x128xf32, #tpu.memory_space<vmem>>, vector<1x8x128xf32>
    %get3A_416 = vector.shape_cast %get3A_415 : vector<1x8x128xf32> to vector<8x128xf32>
    %mul3A_417 = arith.constant 128 : i32
    %mul3A_418 = arith.muli %arg0, %mul3A_417 : i32
    %add3A_419 = arith.constant 16 : i32
    %add3A_420 = arith.addi %mul3A_418, %add3A_419 : i32
    %add3A_421 = arith.constant 5 : i32
    %add3A_422 = arith.addi %add3A_420, %add3A_421 : i32
    %get3A_423 = arith.index_cast %add3A_422 : i32 to index
    %get3A_424 = memref.load %arg1[%get3A_423] : memref<16384xi32, #tpu.memory_space<smem>>
    %max3A_425 = arith.constant -4096 : i32
    %max3A_426 = arith.maxsi %get3A_424, %max3A_425 : i32
    %min3A_427 = arith.constant 4095 : i32
    %min3A_428 = arith.minsi %max3A_426, %min3A_427 : i32
    %add3A_429 = arith.constant 4096 : i32
    %add3A_430 = arith.addi %min3A_428, %add3A_429 : i32
    %get3A_431 = arith.index_cast %add3A_430 : i32 to index
    %get3A_432 = arith.constant 0 : index
    %get3A_433 = arith.constant 0 : index
    %get3A_434 = vector.load %arg2[%get3A_431, %get3A_432, %get3A_433] : memref<8192x8x128xf32, #tpu.memory_space<vmem>>, vector<1x8x128xf32>
    %get3A_435 = vector.shape_cast %get3A_434 : vector<1x8x128xf32> to vector<8x128xf32>
    %mul3A_436 = arith.constant 128 : i32
    %mul3A_437 = arith.muli %arg0, %mul3A_436 : i32
    %add3A_438 = arith.constant 16 : i32
    %add3A_439 = arith.addi %mul3A_437, %add3A_438 : i32
    %add3A_440 = arith.constant 6 : i32
    %add3A_441 = arith.addi %add3A_439, %add3A_440 : i32
    %get3A_442 = arith.index_cast %add3A_441 : i32 to index
    %get3A_443 = memref.load %arg1[%get3A_442] : memref<16384xi32, #tpu.memory_space<smem>>
    %max3A_444 = arith.constant -4096 : i32
    %max3A_445 = arith.maxsi %get3A_443, %max3A_444 : i32
    %min3A_446 = arith.constant 4095 : i32
    %min3A_447 = arith.minsi %max3A_445, %min3A_446 : i32
    %add3A_448 = arith.constant 4096 : i32
    %add3A_449 = arith.addi %min3A_447, %add3A_448 : i32
    %get3A_450 = arith.index_cast %add3A_449 : i32 to index
    %get3A_451 = arith.constant 0 : index
    %get3A_452 = arith.constant 0 : index
    %get3A_453 = vector.load %arg2[%get3A_450, %get3A_451, %get3A_452] : memref<8192x8x128xf32, #tpu.memory_space<vmem>>, vector<1x8x128xf32>
    %get3A_454 = vector.shape_cast %get3A_453 : vector<1x8x128xf32> to vector<8x128xf32>
    %mul3A_455 = arith.constant 128 : i32
    %mul3A_456 = arith.muli %arg0, %mul3A_455 : i32
    %add3A_457 = arith.constant 16 : i32
    %add3A_458 = arith.addi %mul3A_456, %add3A_457 : i32
    %add3A_459 = arith.constant 7 : i32
    %add3A_460 = arith.addi %add3A_458, %add3A_459 : i32
    %get3A_461 = arith.index_cast %add3A_460 : i32 to index
    %get3A_462 = memref.load %arg1[%get3A_461] : memref<16384xi32, #tpu.memory_space<smem>>
    %max3A_463 = arith.constant -4096 : i32
    %max3A_464 = arith.maxsi %get3A_462, %max3A_463 : i32
    %min3A_465 = arith.constant 4095 : i32
    %min3A_466 = arith.minsi %max3A_464, %min3A_465 : i32
    %add3A_467 = arith.constant 4096 : i32
    %add3A_468 = arith.addi %min3A_466, %add3A_467 : i32
    %get3A_469 = arith.index_cast %add3A_468 : i32 to index
    %get3A_470 = arith.constant 0 : index
    %get3A_471 = arith.constant 0 : index
    %get3A_472 = vector.load %arg2[%get3A_469, %get3A_470, %get3A_471] : memref<8192x8x128xf32, #tpu.memory_space<vmem>>, vector<1x8x128xf32>
    %get3A_473 = vector.shape_cast %get3A_472 : vector<1x8x128xf32> to vector<8x128xf32>
    %stack3A_474 = vector.shape_cast %get3A_340 : vector<8x128xf32> to vector<1x8x128xf32>
    %stack3A_475 = vector.shape_cast %get3A_359 : vector<8x128xf32> to vector<1x8x128xf32>
    %stack3A_476 = vector.shape_cast %get3A_378 : vector<8x128xf32> to vector<1x8x128xf32>
    %stack3A_477 = vector.shape_cast %get3A_397 : vector<8x128xf32> to vector<1x8x128xf32>
    %stack3A_478 = vector.shape_cast %get3A_416 : vector<8x128xf32> to vector<1x8x128xf32>
    %stack3A_479 = vector.shape_cast %get3A_435 : vector<8x128xf32> to vector<1x8x128xf32>
    %stack3A_480 = vector.shape_cast %get3A_454 : vector<8x128xf32> to vector<1x8x128xf32>
    %stack3A_481 = vector.shape_cast %get3A_473 : vector<8x128xf32> to vector<1x8x128xf32>
    %stack3A_482 = tpu.concatenate %stack3A_474, %stack3A_475, %stack3A_476, %stack3A_477, %stack3A_478, %stack3A_479, %stack3A_480, %stack3A_481 in 0 : vector<1x8x128xf32>, vector<1x8x128xf32>, vector<1x8x128xf32>, vector<1x8x128xf32>, vector<1x8x128xf32>, vector<1x8x128xf32>, vector<1x8x128xf32>, vector<1x8x128xf32> -> vector<8x8x128xf32>
    %reshape3A_483 = vector.shape_cast %stack3A_482 : vector<8x8x128xf32> to vector<8x1024xf32>
    %swap3A_484 = arith.constant 16 : index
    %swap3A_485 = arith.constant 0 : index
    %swap3A_486 = vector.load %arg3[%swap3A_484, %swap3A_485] : memref<128x1024xf32, #tpu.memory_space<vmem>>, vector<8x1024xf32>
    tpu.vector_store %arg3[%swap3A_484, %swap3A_485], %reshape3A_483 {strides = array<i32>} : memref<128x1024xf32, #tpu.memory_space<vmem>>, vector<8x1024xf32>,
    %mul3A_487 = arith.constant 128 : i32
    %mul3A_488 = arith.muli %arg0, %mul3A_487 : i32
    %add3A_489 = arith.constant 24 : i32
    %add3A_490 = arith.addi %mul3A_488, %add3A_489 : i32
    %add3A_491 = arith.constant 0 : i32
    %add3A_492 = arith.addi %add3A_490, %add3A_491 : i32
    %get3A_493 = arith.index_cast %add3A_492 : i32 to index
    %get3A_494 = memref.load %arg1[%get3A_493] : memref<16384xi32, #tpu.memory_space<smem>>
    %max3A_495 = arith.constant -4096 : i32
    %max3A_496 = arith.maxsi %get3A_494, %max3A_495 : i32
    %min3A_497 = arith.constant 4095 : i32
    %min3A_498 = arith.minsi %max3A_496, %min3A_497 : i32
    %add3A_499 = arith.constant 4096 : i32
    %add3A_500 = arith.addi %min3A_498, %add3A_499 : i32
    %get3A_501 = arith.index_cast %add3A_500 : i32 to index
    %get3A_502 = arith.constant 0 : index
    %get3A_503 = arith.constant 0 : index
    %get3A_504 = vector.load %arg2[%get3A_501, %get3A_502, %get3A_503] : memref<8192x8x128xf32, #tpu.memory_space<vmem>>, vector<1x8x128xf32>
    %get3A_505 = vector.shape_cast %get3A_504 : vector<1x8x128xf32> to vector<8x128xf32>
    %mul3A_506 = arith.constant 128 : i32
    %mul3A_507 = arith.muli %arg0, %mul3A_506 : i32
    %add3A_508 = arith.constant 24 : i32
    %add3A_509 = arith.addi %mul3A_507, %add3A_508 : i32
    %add3A_510 = arith.constant 1 : i32
    %add3A_511 = arith.addi %add3A_509, %add3A_510 : i32
    %get3A_512 = arith.index_cast %add3A_511 : i32 to index
    %get3A_513 = memref.load %arg1[%get3A_512] : memref<16384xi32, #tpu.memory_space<smem>>
    %max3A_514 = arith.constant -4096 : i32
    %max3A_515 = arith.maxsi %get3A_513, %max3A_514 : i32
    %min3A_516 = arith.constant 4095 : i32
    %min3A_517 = arith.minsi %max3A_515, %min3A_516 : i32
    %add3A_518 = arith.constant 4096 : i32
    %add3A_519 = arith.addi %min3A_517, %add3A_518 : i32
    %get3A_520 = arith.index_cast %add3A_519 : i32 to index
    %get3A_521 = arith.constant 0 : index
    %get3A_522 = arith.constant 0 : index
    %get3A_523 = vector.load %arg2[%get3A_520, %get3A_521, %get3A_522] : memref<8192x8x128xf32, #tpu.memory_space<vmem>>, vector<1x8x128xf32>
    %get3A_524 = vector.shape_cast %get3A_523 : vector<1x8x128xf32> to vector<8x128xf32>
    %mul3A_525 = arith.constant 128 : i32
    %mul3A_526 = arith.muli %arg0, %mul3A_525 : i32
    %add3A_527 = arith.constant 24 : i32
    %add3A_528 = arith.addi %mul3A_526, %add3A_527 : i32
    %add3A_529 = arith.constant 2 : i32
    %add3A_530 = arith.addi %add3A_528, %add3A_529 : i32
    %get3A_531 = arith.index_cast %add3A_530 : i32 to index
    %get3A_532 = memref.load %arg1[%get3A_531] : memref<16384xi32, #tpu.memory_space<smem>>
    %max3A_533 = arith.constant -4096 : i32
    %max3A_534 = arith.maxsi %get3A_532, %max3A_533 : i32
    %min3A_535 = arith.constant 4095 : i32
    %min3A_536 = arith.minsi %max3A_534, %min3A_535 : i32
    %add3A_537 = arith.constant 4096 : i32
    %add3A_538 = arith.addi %min3A_536, %add3A_537 : i32
    %get3A_539 = arith.index_cast %add3A_538 : i32 to index
    %get3A_540 = arith.constant 0 : index
    %get3A_541 = arith.constant 0 : index
    %get3A_542 = vector.load %arg2[%get3A_539, %get3A_540, %get3A_541] : memref<8192x8x128xf32, #tpu.memory_space<vmem>>, vector<1x8x128xf32>
    %get3A_543 = vector.shape_cast %get3A_542 : vector<1x8x128xf32> to vector<8x128xf32>
    %mul3A_544 = arith.constant 128 : i32
    %mul3A_545 = arith.muli %arg0, %mul3A_544 : i32
    %add3A_546 = arith.constant 24 : i32
    %add3A_547 = arith.addi %mul3A_545, %add3A_546 : i32
    %add3A_548 = arith.constant 3 : i32
    %add3A_549 = arith.addi %add3A_547, %add3A_548 : i32
    %get3A_550 = arith.index_cast %add3A_549 : i32 to index
    %get3A_551 = memref.load %arg1[%get3A_550] : memref<16384xi32, #tpu.memory_space<smem>>
    %max3A_552 = arith.constant -4096 : i32
    %max3A_553 = arith.maxsi %get3A_551, %max3A_552 : i32
    %min3A_554 = arith.constant 4095 : i32
    %min3A_555 = arith.minsi %max3A_553, %min3A_554 : i32
    %add3A_556 = arith.constant 4096 : i32
    %add3A_557 = arith.addi %min3A_555, %add3A_556 : i32
    %get3A_558 = arith.index_cast %add3A_557 : i32 to index
    %get3A_559 = arith.constant 0 : index
    %get3A_560 = arith.constant 0 : index
    %get3A_561 = vector.load %arg2[%get3A_558, %get3A_559, %get3A_560] : memref<8192x8x128xf32, #tpu.memory_space<vmem>>, vector<1x8x128xf32>
    %get3A_562 = vector.shape_cast %get3A_561 : vector<1x8x128xf32> to vector<8x128xf32>
    %mul3A_563 = arith.constant 128 : i32
    %mul3A_564 = arith.muli %arg0, %mul3A_563 : i32
    %add3A_565 = arith.constant 24 : i32
    %add3A_566 = arith.addi %mul3A_564, %add3A_565 : i32
    %add3A_567 = arith.constant 4 : i32
    %add3A_568 = arith.addi %add3A_566, %add3A_567 : i32
    %get3A_569 = arith.index_cast %add3A_568 : i32 to index
    %get3A_570 = memref.load %arg1[%get3A_569] : memref<16384xi32, #tpu.memory_space<smem>>
    %max3A_571 = arith.constant -4096 : i32
    %max3A_572 = arith.maxsi %get3A_570, %max3A_571 : i32
    %min3A_573 = arith.constant 4095 : i32
    %min3A_574 = arith.minsi %max3A_572, %min3A_573 : i32
    %add3A_575 = arith.constant 4096 : i32
    %add3A_576 = arith.addi %min3A_574, %add3A_575 : i32
    %get3A_577 = arith.index_cast %add3A_576 : i32 to index
    %get3A_578 = arith.constant 0 : index
    %get3A_579 = arith.constant 0 : index
    %get3A_580 = vector.load %arg2[%get3A_577, %get3A_578, %get3A_579] : memref<8192x8x128xf32, #tpu.memory_space<vmem>>, vector<1x8x128xf32>
    %get3A_581 = vector.shape_cast %get3A_580 : vector<1x8x128xf32> to vector<8x128xf32>
    %mul3A_582 = arith.constant 128 : i32
    %mul3A_583 = arith.muli %arg0, %mul3A_582 : i32
    %add3A_584 = arith.constant 24 : i32
    %add3A_585 = arith.addi %mul3A_583, %add3A_584 : i32
    %add3A_586 = arith.constant 5 : i32
    %add3A_587 = arith.addi %add3A_585, %add3A_586 : i32
    %get3A_588 = arith.index_cast %add3A_587 : i32 to index
    %get3A_589 = memref.load %arg1[%get3A_588] : memref<16384xi32, #tpu.memory_space<smem>>
    %max3A_590 = arith.constant -4096 : i32
    %max3A_591 = arith.maxsi %get3A_589, %max3A_590 : i32
    %min3A_592 = arith.constant 4095 : i32
    %min3A_593 = arith.minsi %max3A_591, %min3A_592 : i32
    %add3A_594 = arith.constant 4096 : i32
    %add3A_595 = arith.addi %min3A_593, %add3A_594 : i32
    %get3A_596 = arith.index_cast %add3A_595 : i32 to index
    %get3A_597 = arith.constant 0 : index
    %get3A_598 = arith.constant 0 : index
    %get3A_599 = vector.load %arg2[%get3A_596, %get3A_597, %get3A_598] : memref<8192x8x128xf32, #tpu.memory_space<vmem>>, vector<1x8x128xf32>
    %get3A_600 = vector.shape_cast %get3A_599 : vector<1x8x128xf32> to vector<8x128xf32>
    %mul3A_601 = arith.constant 128 : i32
    %mul3A_602 = arith.muli %arg0, %mul3A_601 : i32
    %add3A_603 = arith.constant 24 : i32
    %add3A_604 = arith.addi %mul3A_602, %add3A_603 : i32
    %add3A_605 = arith.constant 6 : i32
    %add3A_606 = arith.addi %add3A_604, %add3A_605 : i32
    %get3A_607 = arith.index_cast %add3A_606 : i32 to index
    %get3A_608 = memref.load %arg1[%get3A_607] : memref<16384xi32, #tpu.memory_space<smem>>
    %max3A_609 = arith.constant -4096 : i32
    %max3A_610 = arith.maxsi %get3A_608, %max3A_609 : i32
    %min3A_611 = arith.constant 4095 : i32
    %min3A_612 = arith.minsi %max3A_610, %min3A_611 : i32
    %add3A_613 = arith.constant 4096 : i32
    %add3A_614 = arith.addi %min3A_612, %add3A_613 : i32
    %get3A_615 = arith.index_cast %add3A_614 : i32 to index
    %get3A_616 = arith.constant 0 : index
    %get3A_617 = arith.constant 0 : index
    %get3A_618 = vector.load %arg2[%get3A_615, %get3A_616, %get3A_617] : memref<8192x8x128xf32, #tpu.memory_space<vmem>>, vector<1x8x128xf32>
    %get3A_619 = vector.shape_cast %get3A_618 : vector<1x8x128xf32> to vector<8x128xf32>
    %mul3A_620 = arith.constant 128 : i32
    %mul3A_621 = arith.muli %arg0, %mul3A_620 : i32
    %add3A_622 = arith.constant 24 : i32
    %add3A_623 = arith.addi %mul3A_621, %add3A_622 : i32
    %add3A_624 = arith.constant 7 : i32
    %add3A_625 = arith.addi %add3A_623, %add3A_624 : i32
    %get3A_626 = arith.index_cast %add3A_625 : i32 to index
    %get3A_627 = memref.load %arg1[%get3A_626] : memref<16384xi32, #tpu.memory_space<smem>>
    %max3A_628 = arith.constant -4096 : i32
    %max3A_629 = arith.maxsi %get3A_627, %max3A_628 : i32
    %min3A_630 = arith.constant 4095 : i32
    %min3A_631 = arith.minsi %max3A_629, %min3A_630 : i32
    %add3A_632 = arith.constant 4096 : i32
    %add3A_633 = arith.addi %min3A_631, %add3A_632 : i32
    %get3A_634 = arith.index_cast %add3A_633 : i32 to index
    %get3A_635 = arith.constant 0 : index
    %get3A_636 = arith.constant 0 : index
    %get3A_637 = vector.load %arg2[%get3A_634, %get3A_635, %get3A_636] : memref<8192x8x128xf32, #tpu.memory_space<vmem>>, vector<1x8x128xf32>
    %get3A_638 = vector.shape_cast %get3A_637 : vector<1x8x128xf32> to vector<8x128xf32>
    %stack3A_639 = vector.shape_cast %get3A_505 : vector<8x128xf32> to vector<1x8x128xf32>
    %stack3A_640 = vector.shape_cast %get3A_524 : vector<8x128xf32> to vector<1x8x128xf32>
    %stack3A_641 = vector.shape_cast %get3A_543 : vector<8x128xf32> to vector<1x8x128xf32>
    %stack3A_642 = vector.shape_cast %get3A_562 : vector<8x128xf32> to vector<1x8x128xf32>
    %stack3A_643 = vector.shape_cast %get3A_581 : vector<8x128xf32> to vector<1x8x128xf32>
    %stack3A_644 = vector.shape_cast %get3A_600 : vector<8x128xf32> to vector<1x8x128xf32>
    %stack3A_645 = vector.shape_cast %get3A_619 : vector<8x128xf32> to vector<1x8x128xf32>
    %stack3A_646 = vector.shape_cast %get3A_638 : vector<8x128xf32> to vector<1x8x128xf32>
    %stack3A_647 = tpu.concatenate %stack3A_639, %stack3A_640, %stack3A_641, %stack3A_642, %stack3A_643, %stack3A_644, %stack3A_645, %stack3A_646 in 0 : vector<1x8x128xf32>, vector<1x8x128xf32>, vector<1x8x128xf32>, vector<1x8x128xf32>, vector<1x8x128xf32>, vector<1x8x128xf32>, vector<1x8x128xf32>, vector<1x8x128xf32> -> vector<8x8x128xf32>
    %reshape3A_648 = vector.shape_cast %stack3A_647 : vector<8x8x128xf32> to vector<8x1024xf32>
    %swap3A_649 = arith.constant 24 : index
    %swap3A_650 = arith.constant 0 : index
    %swap3A_651 = vector.load %arg3[%swap3A_649, %swap3A_650] : memref<128x1024xf32, #tpu.memory_space<vmem>>, vector<8x1024xf32>
    tpu.vector_store %arg3[%swap3A_649, %swap3A_650], %reshape3A_648 {strides = array<i32>} : memref<128x1024xf32, #tpu.memory_space<vmem>>, vector<8x1024xf32>,
    %mul3A_652 = arith.constant 128 : i32
    %mul3A_653 = arith.muli %arg0, %mul3A_652 : i32
    %add3A_654 = arith.constant 32 : i32
    %add3A_655 = arith.addi %mul3A_653, %add3A_654 : i32
    %add3A_656 = arith.constant 0 : i32
    %add3A_657 = arith.addi %add3A_655, %add3A_656 : i32
    %get3A_658 = arith.index_cast %add3A_657 : i32 to index
    %get3A_659 = memref.load %arg1[%get3A_658] : memref<16384xi32, #tpu.memory_space<smem>>
    %max3A_660 = arith.constant -4096 : i32
    %max3A_661 = arith.maxsi %get3A_659, %max3A_660 : i32
    %min3A_662 = arith.constant 4095 : i32
    %min3A_663 = arith.minsi %max3A_661, %min3A_662 : i32
    %add3A_664 = arith.constant 4096 : i32
    %add3A_665 = arith.addi %min3A_663, %add3A_664 : i32
    %get3A_666 = arith.index_cast %add3A_665 : i32 to index
    %get3A_667 = arith.constant 0 : index
    %get3A_668 = arith.constant 0 : index
    %get3A_669 = vector.load %arg2[%get3A_666, %get3A_667, %get3A_668] : memref<8192x8x128xf32, #tpu.memory_space<vmem>>, vector<1x8x128xf32>
    %get3A_670 = vector.shape_cast %get3A_669 : vector<1x8x128xf32> to vector<8x128xf32>
    %mul3A_671 = arith.constant 128 : i32
    %mul3A_672 = arith.muli %arg0, %mul3A_671 : i32
    %add3A_673 = arith.constant 32 : i32
    %add3A_674 = arith.addi %mul3A_672, %add3A_673 : i32
    %add3A_675 = arith.constant 1 : i32
    %add3A_676 = arith.addi %add3A_674, %add3A_675 : i32
    %get3A_677 = arith.index_cast %add3A_676 : i32 to index
    %get3A_678 = memref.load %arg1[%get3A_677] : memref<16384xi32, #tpu.memory_space<smem>>
    %max3A_679 = arith.constant -4096 : i32
    %max3A_680 = arith.maxsi %get3A_678, %max3A_679 : i32
    %min3A_681 = arith.constant 4095 : i32
    %min3A_682 = arith.minsi %max3A_680, %min3A_681 : i32
    %add3A_683 = arith.constant 4096 : i32
    %add3A_684 = arith.addi %min3A_682, %add3A_683 : i32
    %get3A_685 = arith.index_cast %add3A_684 : i32 to index
    %get3A_686 = arith.constant 0 : index
    %get3A_687 = arith.constant 0 : index
    %get3A_688 = vector.load %arg2[%get3A_685, %get3A_686, %get3A_687] : memref<8192x8x128xf32, #tpu.memory_space<vmem>>, vector<1x8x128xf32>
    %get3A_689 = vector.shape_cast %get3A_688 : vector<1x8x128xf32> to vector<8x128xf32>
    %mul3A_690 = arith.constant 128 : i32
    %mul3A_691 = arith.muli %arg0, %mul3A_690 : i32
    %add3A_692 = arith.constant 32 : i32
    %add3A_693 = arith.addi %mul3A_691, %add3A_692 : i32
    %add3A_694 = arith.constant 2 : i32
    %add3A_695 = arith.addi %add3A_693, %add3A_694 : i32
    %get3A_696 = arith.index_cast %add3A_695 : i32 to index
    %get3A_697 = memref.load %arg1[%get3A_696] : memref<16384xi32, #tpu.memory_space<smem>>
    %max3A_698 = arith.constant -4096 : i32
    %max3A_699 = arith.maxsi %get3A_697, %max3A_698 : i32
    %min3A_700 = arith.constant 4095 : i32
    %min3A_701 = arith.minsi %max3A_699, %min3A_700 : i32
    %add3A_702 = arith.constant 4096 : i32
    %add3A_703 = arith.addi %min3A_701, %add3A_702 : i32
    %get3A_704 = arith.index_cast %add3A_703 : i32 to index
    %get3A_705 = arith.constant 0 : index
    %get3A_706 = arith.constant 0 : index
    %get3A_707 = vector.load %arg2[%get3A_704, %get3A_705, %get3A_706] : memref<8192x8x128xf32, #tpu.memory_space<vmem>>, vector<1x8x128xf32>
    %get3A_708 = vector.shape_cast %get3A_707 : vector<1x8x128xf32> to vector<8x128xf32>
    %mul3A_709 = arith.constant 128 : i32
    %mul3A_710 = arith.muli %arg0, %mul3A_709 : i32
    %add3A_711 = arith.constant 32 : i32
    %add3A_712 = arith.addi %mul3A_710, %add3A_711 : i32
    %add3A_713 = arith.constant 3 : i32
    %add3A_714 = arith.addi %add3A_712, %add3A_713 : i32
    %get3A_715 = arith.index_cast %add3A_714 : i32 to index
    %get3A_716 = memref.load %arg1[%get3A_715] : memref<16384xi32, #tpu.memory_space<smem>>
    %max3A_717 = arith.constant -4096 : i32
    %max3A_718 = arith.maxsi %get3A_716, %max3A_717 : i32
    %min3A_719 = arith.constant 4095 : i32
    %min3A_720 = arith.minsi %max3A_718, %min3A_719 : i32
    %add3A_721 = arith.constant 4096 : i32
    %add3A_722 = arith.addi %min3A_720, %add3A_721 : i32
    %get3A_723 = arith.index_cast %add3A_722 : i32 to index
    %get3A_724 = arith.constant 0 : index
    %get3A_725 = arith.constant 0 : index
    %get3A_726 = vector.load %arg2[%get3A_723, %get3A_724, %get3A_725] : memref<8192x8x128xf32, #tpu.memory_space<vmem>>, vector<1x8x128xf32>
    %get3A_727 = vector.shape_cast %get3A_726 : vector<1x8x128xf32> to vector<8x128xf32>
    %mul3A_728 = arith.constant 128 : i32
    %mul3A_729 = arith.muli %arg0, %mul3A_728 : i32
    %add3A_730 = arith.constant 32 : i32
    %add3A_731 = arith.addi %mul3A_729, %add3A_730 : i32
    %add3A_732 = arith.constant 4 : i32
    %add3A_733 = arith.addi %add3A_731, %add3A_732 : i32
    %get3A_734 = arith.index_cast %add3A_733 : i32 to index
    %get3A_735 = memref.load %arg1[%get3A_734] : memref<16384xi32, #tpu.memory_space<smem>>
    %max3A_736 = arith.constant -4096 : i32
    %max3A_737 = arith.maxsi %get3A_735, %max3A_736 : i32
    %min3A_738 = arith.constant 4095 : i32
    %min3A_739 = arith.minsi %max3A_737, %min3A_738 : i32
    %add3A_740 = arith.constant 4096 : i32
    %add3A_741 = arith.addi %min3A_739, %add3A_740 : i32
    %get3A_742 = arith.index_cast %add3A_741 : i32 to index
    %get3A_743 = arith.constant 0 : index
    %get3A_744 = arith.constant 0 : index
    %get3A_745 = vector.load %arg2[%get3A_742, %get3A_743, %get3A_744] : memref<8192x8x128xf32, #tpu.memory_space<vmem>>, vector<1x8x128xf32>
    %get3A_746 = vector.shape_cast %get3A_745 : vector<1x8x128xf32> to vector<8x128xf32>
    %mul3A_747 = arith.constant 128 : i32
    %mul3A_748 = arith.muli %arg0, %mul3A_747 : i32
    %add3A_749 = arith.constant 32 : i32
    %add3A_750 = arith.addi %mul3A_748, %add3A_749 : i32
    %add3A_751 = arith.constant 5 : i32
    %add3A_752 = arith.addi %add3A_750, %add3A_751 : i32
    %get3A_753 = arith.index_cast %add3A_752 : i32 to index
    %get3A_754 = memref.load %arg1[%get3A_753] : memref<16384xi32, #tpu.memory_space<smem>>
    %max3A_755 = arith.constant -4096 : i32
    %max3A_756 = arith.maxsi %get3A_754, %max3A_755 : i32
    %min3A_757 = arith.constant 4095 : i32
    %min3A_758 = arith.minsi %max3A_756, %min3A_757 : i32
    %add3A_759 = arith.constant 4096 : i32
    %add3A_760 = arith.addi %min3A_758, %add3A_759 : i32
    %get3A_761 = arith.index_cast %add3A_760 : i32 to index
    %get3A_762 = arith.constant 0 : index
    %get3A_763 = arith.constant 0 : index
    %get3A_764 = vector.load %arg2[%get3A_761, %get3A_762, %get3A_763] : memref<8192x8x128xf32, #tpu.memory_space<vmem>>, vector<1x8x128xf32>
    %get3A_765 = vector.shape_cast %get3A_764 : vector<1x8x128xf32> to vector<8x128xf32>
    %mul3A_766 = arith.constant 128 : i32
    %mul3A_767 = arith.muli %arg0, %mul3A_766 : i32
    %add3A_768 = arith.constant 32 : i32
    %add3A_769 = arith.addi %mul3A_767, %add3A_768 : i32
    %add3A_770 = arith.constant 6 : i32
    %add3A_771 = arith.addi %add3A_769, %add3A_770 : i32
    %get3A_772 = arith.index_cast %add3A_771 : i32 to index
    %get3A_773 = memref.load %arg1[%get3A_772] : memref<16384xi32, #tpu.memory_space<smem>>
    %max3A_774 = arith.constant -4096 : i32
    %max3A_775 = arith.maxsi %get3A_773, %max3A_774 : i32
    %min3A_776 = arith.constant 4095 : i32
    %min3A_777 = arith.minsi %max3A_775, %min3A_776 : i32
    %add3A_778 = arith.constant 4096 : i32
    %add3A_779 = arith.addi %min3A_777, %add3A_778 : i32
    %get3A_780 = arith.index_cast %add3A_779 : i32 to index
    %get3A_781 = arith.constant 0 : index
    %get3A_782 = arith.constant 0 : index
    %get3A_783 = vector.load %arg2[%get3A_780, %get3A_781, %get3A_782] : memref<8192x8x128xf32, #tpu.memory_space<vmem>>, vector<1x8x128xf32>
    %get3A_784 = vector.shape_cast %get3A_783 : vector<1x8x128xf32> to vector<8x128xf32>
    %mul3A_785 = arith.constant 128 : i32
    %mul3A_786 = arith.muli %arg0, %mul3A_785 : i32
    %add3A_787 = arith.constant 32 : i32
    %add3A_788 = arith.addi %mul3A_786, %add3A_787 : i32
    %add3A_789 = arith.constant 7 : i32
    %add3A_790 = arith.addi %add3A_788, %add3A_789 : i32
    %get3A_791 = arith.index_cast %add3A_790 : i32 to index
    %get3A_792 = memref.load %arg1[%get3A_791] : memref<16384xi32, #tpu.memory_space<smem>>
    %max3A_793 = arith.constant -4096 : i32
    %max3A_794 = arith.maxsi %get3A_792, %max3A_793 : i32
    %min3A_795 = arith.constant 4095 : i32
    %min3A_796 = arith.minsi %max3A_794, %min3A_795 : i32
    %add3A_797 = arith.constant 4096 : i32
    %add3A_798 = arith.addi %min3A_796, %add3A_797 : i32
    %get3A_799 = arith.index_cast %add3A_798 : i32 to index
    %get3A_800 = arith.constant 0 : index
    %get3A_801 = arith.constant 0 : index
    %get3A_802 = vector.load %arg2[%get3A_799, %get3A_800, %get3A_801] : memref<8192x8x128xf32, #tpu.memory_space<vmem>>, vector<1x8x128xf32>
    %get3A_803 = vector.shape_cast %get3A_802 : vector<1x8x128xf32> to vector<8x128xf32>
    %stack3A_804 = vector.shape_cast %get3A_670 : vector<8x128xf32> to vector<1x8x128xf32>
    %stack3A_805 = vector.shape_cast %get3A_689 : vector<8x128xf32> to vector<1x8x128xf32>
    %stack3A_806 = vector.shape_cast %get3A_708 : vector<8x128xf32> to vector<1x8x128xf32>
    %stack3A_807 = vector.shape_cast %get3A_727 : vector<8x128xf32> to vector<1x8x128xf32>
    %stack3A_808 = vector.shape_cast %get3A_746 : vector<8x128xf32> to vector<1x8x128xf32>
    %stack3A_809 = vector.shape_cast %get3A_765 : vector<8x128xf32> to vector<1x8x128xf32>
    %stack3A_810 = vector.shape_cast %get3A_784 : vector<8x128xf32> to vector<1x8x128xf32>
    %stack3A_811 = vector.shape_cast %get3A_803 : vector<8x128xf32> to vector<1x8x128xf32>
    %stack3A_812 = tpu.concatenate %stack3A_804, %stack3A_805, %stack3A_806, %stack3A_807, %stack3A_808, %stack3A_809, %stack3A_810, %stack3A_811 in 0 : vector<1x8x128xf32>, vector<1x8x128xf32>, vector<1x8x128xf32>, vector<1x8x128xf32>, vector<1x8x128xf32>, vector<1x8x128xf32>, vector<1x8x128xf32>, vector<1x8x128xf32> -> vector<8x8x128xf32>
    %reshape3A_813 = vector.shape_cast %stack3A_812 : vector<8x8x128xf32> to vector<8x1024xf32>
    %swap3A_814 = arith.constant 32 : index
    %swap3A_815 = arith.constant 0 : index
    %swap3A_816 = vector.load %arg3[%swap3A_814, %swap3A_815] : memref<128x1024xf32, #tpu.memory_space<vmem>>, vector<8x1024xf32>
    tpu.vector_store %arg3[%swap3A_814, %swap3A_815], %reshape3A_813 {strides = array<i32>} : memref<128x1024xf32, #tpu.memory_space<vmem>>, vector<8x1024xf32>,
    %mul3A_817 = arith.constant 128 : i32
    %mul3A_818 = arith.muli %arg0, %mul3A_817 : i32
    %add3A_819 = arith.constant 40 : i32
    %add3A_820 = arith.addi %mul3A_818, %add3A_819 : i32
    %add3A_821 = arith.constant 0 : i32
    %add3A_822 = arith.addi %add3A_820, %add3A_821 : i32
    %get3A_823 = arith.index_cast %add3A_822 : i32 to index
    %get3A_824 = memref.load %arg1[%get3A_823] : memref<16384xi32, #tpu.memory_space<smem>>
    %max3A_825 = arith.constant -4096 : i32
    %max3A_826 = arith.maxsi %get3A_824, %max3A_825 : i32
    %min3A_827 = arith.constant 4095 : i32
    %min3A_828 = arith.minsi %max3A_826, %min3A_827 : i32
    %add3A_829 = arith.constant 4096 : i32
    %add3A_830 = arith.addi %min3A_828, %add3A_829 : i32
    %get3A_831 = arith.index_cast %add3A_830 : i32 to index
    %get3A_832 = arith.constant 0 : index
    %get3A_833 = arith.constant 0 : index
    %get3A_834 = vector.load %arg2[%get3A_831, %get3A_832, %get3A_833] : memref<8192x8x128xf32, #tpu.memory_space<vmem>>, vector<1x8x128xf32>
    %get3A_835 = vector.shape_cast %get3A_834 : vector<1x8x128xf32> to vector<8x128xf32>
    %mul3A_836 = arith.constant 128 : i32
    %mul3A_837 = arith.muli %arg0, %mul3A_836 : i32
    %add3A_838 = arith.constant 40 : i32
    %add3A_839 = arith.addi %mul3A_837, %add3A_838 : i32
    %add3A_840 = arith.constant 1 : i32
    %add3A_841 = arith.addi %add3A_839, %add3A_840 : i32
    %get3A_842 = arith.index_cast %add3A_841 : i32 to index
    %get3A_843 = memref.load %arg1[%get3A_842] : memref<16384xi32, #tpu.memory_space<smem>>
    %max3A_844 = arith.constant -4096 : i32
    %max3A_845 = arith.maxsi %get3A_843, %max3A_844 : i32
    %min3A_846 = arith.constant 4095 : i32
    %min3A_847 = arith.minsi %max3A_845, %min3A_846 : i32
    %add3A_848 = arith.constant 4096 : i32
    %add3A_849 = arith.addi %min3A_847, %add3A_848 : i32
    %get3A_850 = arith.index_cast %add3A_849 : i32 to index
    %get3A_851 = arith.constant 0 : index
    %get3A_852 = arith.constant 0 : index
    %get3A_853 = vector.load %arg2[%get3A_850, %get3A_851, %get3A_852] : memref<8192x8x128xf32, #tpu.memory_space<vmem>>, vector<1x8x128xf32>
    %get3A_854 = vector.shape_cast %get3A_853 : vector<1x8x128xf32> to vector<8x128xf32>
    %mul3A_855 = arith.constant 128 : i32
    %mul3A_856 = arith.muli %arg0, %mul3A_855 : i32
    %add3A_857 = arith.constant 40 : i32
    %add3A_858 = arith.addi %mul3A_856, %add3A_857 : i32
    %add3A_859 = arith.constant 2 : i32
    %add3A_860 = arith.addi %add3A_858, %add3A_859 : i32
    %get3A_861 = arith.index_cast %add3A_860 : i32 to index
    %get3A_862 = memref.load %arg1[%get3A_861] : memref<16384xi32, #tpu.memory_space<smem>>
    %max3A_863 = arith.constant -4096 : i32
    %max3A_864 = arith.maxsi %get3A_862, %max3A_863 : i32
    %min3A_865 = arith.constant 4095 : i32
    %min3A_866 = arith.minsi %max3A_864, %min3A_865 : i32
    %add3A_867 = arith.constant 4096 : i32
    %add3A_868 = arith.addi %min3A_866, %add3A_867 : i32
    %get3A_869 = arith.index_cast %add3A_868 : i32 to index
    %get3A_870 = arith.constant 0 : index
    %get3A_871 = arith.constant 0 : index
    %get3A_872 = vector.load %arg2[%get3A_869, %get3A_870, %get3A_871] : memref<8192x8x128xf32, #tpu.memory_space<vmem>>, vector<1x8x128xf32>
    %get3A_873 = vector.shape_cast %get3A_872 : vector<1x8x128xf32> to vector<8x128xf32>
    %mul3A_874 = arith.constant 128 : i32
    %mul3A_875 = arith.muli %arg0, %mul3A_874 : i32
    %add3A_876 = arith.constant 40 : i32
    %add3A_877 = arith.addi %mul3A_875, %add3A_876 : i32
    %add3A_878 = arith.constant 3 : i32
    %add3A_879 = arith.addi %add3A_877, %add3A_878 : i32
    %get3A_880 = arith.index_cast %add3A_879 : i32 to index
    %get3A_881 = memref.load %arg1[%get3A_880] : memref<16384xi32, #tpu.memory_space<smem>>
    %max3A_882 = arith.constant -4096 : i32
    %max3A_883 = arith.maxsi %get3A_881, %max3A_882 : i32
    %min3A_884 = arith.constant 4095 : i32
    %min3A_885 = arith.minsi %max3A_883, %min3A_884 : i32
    %add3A_886 = arith.constant 4096 : i32
    %add3A_887 = arith.addi %min3A_885, %add3A_886 : i32
    %get3A_888 = arith.index_cast %add3A_887 : i32 to index
    %get3A_889 = arith.constant 0 : index
    %get3A_890 = arith.constant 0 : index
    %get3A_891 = vector.load %arg2[%get3A_888, %get3A_889, %get3A_890] : memref<8192x8x128xf32, #tpu.memory_space<vmem>>, vector<1x8x128xf32>
    %get3A_892 = vector.shape_cast %get3A_891 : vector<1x8x128xf32> to vector<8x128xf32>
    %mul3A_893 = arith.constant 128 : i32
    %mul3A_894 = arith.muli %arg0, %mul3A_893 : i32
    %add3A_895 = arith.constant 40 : i32
    %add3A_896 = arith.addi %mul3A_894, %add3A_895 : i32
    %add3A_897 = arith.constant 4 : i32
    %add3A_898 = arith.addi %add3A_896, %add3A_897 : i32
    %get3A_899 = arith.index_cast %add3A_898 : i32 to index
    %get3A_900 = memref.load %arg1[%get3A_899] : memref<16384xi32, #tpu.memory_space<smem>>
    %max3A_901 = arith.constant -4096 : i32
    %max3A_902 = arith.maxsi %get3A_900, %max3A_901 : i32
    %min3A_903 = arith.constant 4095 : i32
    %min3A_904 = arith.minsi %max3A_902, %min3A_903 : i32
    %add3A_905 = arith.constant 4096 : i32
    %add3A_906 = arith.addi %min3A_904, %add3A_905 : i32
    %get3A_907 = arith.index_cast %add3A_906 : i32 to index
    %get3A_908 = arith.constant 0 : index
    %get3A_909 = arith.constant 0 : index
    %get3A_910 = vector.load %arg2[%get3A_907, %get3A_908, %get3A_909] : memref<8192x8x128xf32, #tpu.memory_space<vmem>>, vector<1x8x128xf32>
    %get3A_911 = vector.shape_cast %get3A_910 : vector<1x8x128xf32> to vector<8x128xf32>
    %mul3A_912 = arith.constant 128 : i32
    %mul3A_913 = arith.muli %arg0, %mul3A_912 : i32
    %add3A_914 = arith.constant 40 : i32
    %add3A_915 = arith.addi %mul3A_913, %add3A_914 : i32
    %add3A_916 = arith.constant 5 : i32
    %add3A_917 = arith.addi %add3A_915, %add3A_916 : i32
    %get3A_918 = arith.index_cast %add3A_917 : i32 to index
    %get3A_919 = memref.load %arg1[%get3A_918] : memref<16384xi32, #tpu.memory_space<smem>>
    %max3A_920 = arith.constant -4096 : i32
    %max3A_921 = arith.maxsi %get3A_919, %max3A_920 : i32
    %min3A_922 = arith.constant 4095 : i32
    %min3A_923 = arith.minsi %max3A_921, %min3A_922 : i32
    %add3A_924 = arith.constant 4096 : i32
    %add3A_925 = arith.addi %min3A_923, %add3A_924 : i32
    %get3A_926 = arith.index_cast %add3A_925 : i32 to index
    %get3A_927 = arith.constant 0 : index
    %get3A_928 = arith.constant 0 : index
    %get3A_929 = vector.load %arg2[%get3A_926, %get3A_927, %get3A_928] : memref<8192x8x128xf32, #tpu.memory_space<vmem>>, vector<1x8x128xf32>
    %get3A_930 = vector.shape_cast %get3A_929 : vector<1x8x128xf32> to vector<8x128xf32>
    %mul3A_931 = arith.constant 128 : i32
    %mul3A_932 = arith.muli %arg0, %mul3A_931 : i32
    %add3A_933 = arith.constant 40 : i32
    %add3A_934 = arith.addi %mul3A_932, %add3A_933 : i32
    %add3A_935 = arith.constant 6 : i32
    %add3A_936 = arith.addi %add3A_934, %add3A_935 : i32
    %get3A_937 = arith.index_cast %add3A_936 : i32 to index
    %get3A_938 = memref.load %arg1[%get3A_937] : memref<16384xi32, #tpu.memory_space<smem>>
    %max3A_939 = arith.constant -4096 : i32
    %max3A_940 = arith.maxsi %get3A_938, %max3A_939 : i32
    %min3A_941 = arith.constant 4095 : i32
    %min3A_942 = arith.minsi %max3A_940, %min3A_941 : i32
    %add3A_943 = arith.constant 4096 : i32
    %add3A_944 = arith.addi %min3A_942, %add3A_943 : i32
    %get3A_945 = arith.index_cast %add3A_944 : i32 to index
    %get3A_946 = arith.constant 0 : index
    %get3A_947 = arith.constant 0 : index
    %get3A_948 = vector.load %arg2[%get3A_945, %get3A_946, %get3A_947] : memref<8192x8x128xf32, #tpu.memory_space<vmem>>, vector<1x8x128xf32>
    %get3A_949 = vector.shape_cast %get3A_948 : vector<1x8x128xf32> to vector<8x128xf32>
    %mul3A_950 = arith.constant 128 : i32
    %mul3A_951 = arith.muli %arg0, %mul3A_950 : i32
    %add3A_952 = arith.constant 40 : i32
    %add3A_953 = arith.addi %mul3A_951, %add3A_952 : i32
    %add3A_954 = arith.constant 7 : i32
    %add3A_955 = arith.addi %add3A_953, %add3A_954 : i32
    %get3A_956 = arith.index_cast %add3A_955 : i32 to index
    %get3A_957 = memref.load %arg1[%get3A_956] : memref<16384xi32, #tpu.memory_space<smem>>
    %max3A_958 = arith.constant -4096 : i32
    %max3A_959 = arith.maxsi %get3A_957, %max3A_958 : i32
    %min3A_960 = arith.constant 4095 : i32
    %min3A_961 = arith.minsi %max3A_959, %min3A_960 : i32
    %add3A_962 = arith.constant 4096 : i32
    %add3A_963 = arith.addi %min3A_961, %add3A_962 : i32
    %get3A_964 = arith.index_cast %add3A_963 : i32 to index
    %get3A_965 = arith.constant 0 : index
    %get3A_966 = arith.constant 0 : index
    %get3A_967 = vector.load %arg2[%get3A_964, %get3A_965, %get3A_966] : memref<8192x8x128xf32, #tpu.memory_space<vmem>>, vector<1x8x128xf32>
    %get3A_968 = vector.shape_cast %get3A_967 : vector<1x8x128xf32> to vector<8x128xf32>
    %stack3A_969 = vector.shape_cast %get3A_835 : vector<8x128xf32> to vector<1x8x128xf32>
    %stack3A_970 = vector.shape_cast %get3A_854 : vector<8x128xf32> to vector<1x8x128xf32>
    %stack3A_971 = vector.shape_cast %get3A_873 : vector<8x128xf32> to vector<1x8x128xf32>
    %stack3A_972 = vector.shape_cast %get3A_892 : vector<8x128xf32> to vector<1x8x128xf32>
    %stack3A_973 = vector.shape_cast %get3A_911 : vector<8x128xf32> to vector<1x8x128xf32>
    %stack3A_974 = vector.shape_cast %get3A_930 : vector<8x128xf32> to vector<1x8x128xf32>
    %stack3A_975 = vector.shape_cast %get3A_949 : vector<8x128xf32> to vector<1x8x128xf32>
    %stack3A_976 = vector.shape_cast %get3A_968 : vector<8x128xf32> to vector<1x8x128xf32>
    %stack3A_977 = tpu.concatenate %stack3A_969, %stack3A_970, %stack3A_971, %stack3A_972, %stack3A_973, %stack3A_974, %stack3A_975, %stack3A_976 in 0 : vector<1x8x128xf32>, vector<1x8x128xf32>, vector<1x8x128xf32>, vector<1x8x128xf32>, vector<1x8x128xf32>, vector<1x8x128xf32>, vector<1x8x128xf32>, vector<1x8x128xf32> -> vector<8x8x128xf32>
    %reshape3A_978 = vector.shape_cast %stack3A_977 : vector<8x8x128xf32> to vector<8x1024xf32>
    %swap3A_979 = arith.constant 40 : index
    %swap3A_980 = arith.constant 0 : index
    %swap3A_981 = vector.load %arg3[%swap3A_979, %swap3A_980] : memref<128x1024xf32, #tpu.memory_space<vmem>>, vector<8x1024xf32>
    tpu.vector_store %arg3[%swap3A_979, %swap3A_980], %reshape3A_978 {strides = array<i32>} : memref<128x1024xf32, #tpu.memory_space<vmem>>, vector<8x1024xf32>,
    %mul3A_982 = arith.constant 128 : i32
    %mul3A_983 = arith.muli %arg0, %mul3A_982 : i32
    %add3A_984 = arith.constant 48 : i32
    %add3A_985 = arith.addi %mul3A_983, %add3A_984 : i32
    %add3A_986 = arith.constant 0 : i32
    %add3A_987 = arith.addi %add3A_985, %add3A_986 : i32
    %get3A_988 = arith.index_cast %add3A_987 : i32 to index
    %get3A_989 = memref.load %arg1[%get3A_988] : memref<16384xi32, #tpu.memory_space<smem>>
    %max3A_990 = arith.constant -4096 : i32
    %max3A_991 = arith.maxsi %get3A_989, %max3A_990 : i32
    %min3A_992 = arith.constant 4095 : i32
    %min3A_993 = arith.minsi %max3A_991, %min3A_992 : i32
    %add3A_994 = arith.constant 4096 : i32
    %add3A_995 = arith.addi %min3A_993, %add3A_994 : i32
    %get3A_996 = arith.index_cast %add3A_995 : i32 to index
    %get3A_997 = arith.constant 0 : index
    %get3A_998 = arith.constant 0 : index
    %get3A_999 = vector.load %arg2[%get3A_996, %get3A_997, %get3A_998] : memref<8192x8x128xf32, #tpu.memory_space<vmem>>, vector<1x8x128xf32>
    %get3A_1000 = vector.shape_cast %get3A_999 : vector<1x8x128xf32> to vector<8x128xf32>
    %mul3A_1001 = arith.constant 128 : i32
    %mul3A_1002 = arith.muli %arg0, %mul3A_1001 : i32
    %add3A_1003 = arith.constant 48 : i32
    %add3A_1004 = arith.addi %mul3A_1002, %add3A_1003 : i32
    %add3A_1005 = arith.constant 1 : i32
    %add3A_1006 = arith.addi %add3A_1004, %add3A_1005 : i32
    %get3A_1007 = arith.index_cast %add3A_1006 : i32 to index
    %get3A_1008 = memref.load %arg1[%get3A_1007] : memref<16384xi32, #tpu.memory_space<smem>>
    %max3A_1009 = arith.constant -4096 : i32
    %max3A_1010 = arith.maxsi %get3A_1008, %max3A_1009 : i32
    %min3A_1011 = arith.constant 4095 : i32
    %min3A_1012 = arith.minsi %max3A_1010, %min3A_1011 : i32
    %add3A_1013 = arith.constant 4096 : i32
    %add3A_1014 = arith.addi %min3A_1012, %add3A_1013 : i32
    %get3A_1015 = arith.index_cast %add3A_1014 : i32 to index
    %get3A_1016 = arith.constant 0 : index
    %get3A_1017 = arith.constant 0 : index
    %get3A_1018 = vector.load %arg2[%get3A_1015, %get3A_1016, %get3A_1017] : memref<8192x8x128xf32, #tpu.memory_space<vmem>>, vector<1x8x128xf32>
    %get3A_1019 = vector.shape_cast %get3A_1018 : vector<1x8x128xf32> to vector<8x128xf32>
    %mul3A_1020 = arith.constant 128 : i32
    %mul3A_1021 = arith.muli %arg0, %mul3A_1020 : i32
    %add3A_1022 = arith.constant 48 : i32
    %add3A_1023 = arith.addi %mul3A_1021, %add3A_1022 : i32
    %add3A_1024 = arith.constant 2 : i32
    %add3A_1025 = arith.addi %add3A_1023, %add3A_1024 : i32
    %get3A_1026 = arith.index_cast %add3A_1025 : i32 to index
    %get3A_1027 = memref.load %arg1[%get3A_1026] : memref<16384xi32, #tpu.memory_space<smem>>
    %max3A_1028 = arith.constant -4096 : i32
    %max3A_1029 = arith.maxsi %get3A_1027, %max3A_1028 : i32
    %min3A_1030 = arith.constant 4095 : i32
    %min3A_1031 = arith.minsi %max3A_1029, %min3A_1030 : i32
    %add3A_1032 = arith.constant 4096 : i32
    %add3A_1033 = arith.addi %min3A_1031, %add3A_1032 : i32
    %get3A_1034 = arith.index_cast %add3A_1033 : i32 to index
    %get3A_1035 = arith.constant 0 : index
    %get3A_1036 = arith.constant 0 : index
    %get3A_1037 = vector.load %arg2[%get3A_1034, %get3A_1035, %get3A_1036] : memref<8192x8x128xf32, #tpu.memory_space<vmem>>, vector<1x8x128xf32>
    %get3A_1038 = vector.shape_cast %get3A_1037 : vector<1x8x128xf32> to vector<8x128xf32>
    %mul3A_1039 = arith.constant 128 : i32
    %mul3A_1040 = arith.muli %arg0, %mul3A_1039 : i32
    %add3A_1041 = arith.constant 48 : i32
    %add3A_1042 = arith.addi %mul3A_1040, %add3A_1041 : i32
    %add3A_1043 = arith.constant 3 : i32
    %add3A_1044 = arith.addi %add3A_1042, %add3A_1043 : i32
    %get3A_1045 = arith.index_cast %add3A_1044 : i32 to index
    %get3A_1046 = memref.load %arg1[%get3A_1045] : memref<16384xi32, #tpu.memory_space<smem>>
    %max3A_1047 = arith.constant -4096 : i32
    %max3A_1048 = arith.maxsi %get3A_1046, %max3A_1047 : i32
    %min3A_1049 = arith.constant 4095 : i32
    %min3A_1050 = arith.minsi %max3A_1048, %min3A_1049 : i32
    %add3A_1051 = arith.constant 4096 : i32
    %add3A_1052 = arith.addi %min3A_1050, %add3A_1051 : i32
    %get3A_1053 = arith.index_cast %add3A_1052 : i32 to index
    %get3A_1054 = arith.constant 0 : index
    %get3A_1055 = arith.constant 0 : index
    %get3A_1056 = vector.load %arg2[%get3A_1053, %get3A_1054, %get3A_1055] : memref<8192x8x128xf32, #tpu.memory_space<vmem>>, vector<1x8x128xf32>
    %get3A_1057 = vector.shape_cast %get3A_1056 : vector<1x8x128xf32> to vector<8x128xf32>
    %mul3A_1058 = arith.constant 128 : i32
    %mul3A_1059 = arith.muli %arg0, %mul3A_1058 : i32
    %add3A_1060 = arith.constant 48 : i32
    %add3A_1061 = arith.addi %mul3A_1059, %add3A_1060 : i32
    %add3A_1062 = arith.constant 4 : i32
    %add3A_1063 = arith.addi %add3A_1061, %add3A_1062 : i32
    %get3A_1064 = arith.index_cast %add3A_1063 : i32 to index
    %get3A_1065 = memref.load %arg1[%get3A_1064] : memref<16384xi32, #tpu.memory_space<smem>>
    %max3A_1066 = arith.constant -4096 : i32
    %max3A_1067 = arith.maxsi %get3A_1065, %max3A_1066 : i32
    %min3A_1068 = arith.constant 4095 : i32
    %min3A_1069 = arith.minsi %max3A_1067, %min3A_1068 : i32
    %add3A_1070 = arith.constant 4096 : i32
    %add3A_1071 = arith.addi %min3A_1069, %add3A_1070 : i32
    %get3A_1072 = arith.index_cast %add3A_1071 : i32 to index
    %get3A_1073 = arith.constant 0 : index
    %get3A_1074 = arith.constant 0 : index
    %get3A_1075 = vector.load %arg2[%get3A_1072, %get3A_1073, %get3A_1074] : memref<8192x8x128xf32, #tpu.memory_space<vmem>>, vector<1x8x128xf32>
    %get3A_1076 = vector.shape_cast %get3A_1075 : vector<1x8x128xf32> to vector<8x128xf32>
    %mul3A_1077 = arith.constant 128 : i32
    %mul3A_1078 = arith.muli %arg0, %mul3A_1077 : i32
    %add3A_1079 = arith.constant 48 : i32
    %add3A_1080 = arith.addi %mul3A_1078, %add3A_1079 : i32
    %add3A_1081 = arith.constant 5 : i32
    %add3A_1082 = arith.addi %add3A_1080, %add3A_1081 : i32
    %get3A_1083 = arith.index_cast %add3A_1082 : i32 to index
    %get3A_1084 = memref.load %arg1[%get3A_1083] : memref<16384xi32, #tpu.memory_space<smem>>
    %max3A_1085 = arith.constant -4096 : i32
    %max3A_1086 = arith.maxsi %get3A_1084, %max3A_1085 : i32
    %min3A_1087 = arith.constant 4095 : i32
    %min3A_1088 = arith.minsi %max3A_1086, %min3A_1087 : i32
    %add3A_1089 = arith.constant 4096 : i32
    %add3A_1090 = arith.addi %min3A_1088, %add3A_1089 : i32
    %get3A_1091 = arith.index_cast %add3A_1090 : i32 to index
    %get3A_1092 = arith.constant 0 : index
    %get3A_1093 = arith.constant 0 : index
    %get3A_1094 = vector.load %arg2[%get3A_1091, %get3A_1092, %get3A_1093] : memref<8192x8x128xf32, #tpu.memory_space<vmem>>, vector<1x8x128xf32>
    %get3A_1095 = vector.shape_cast %get3A_1094 : vector<1x8x128xf32> to vector<8x128xf32>
    %mul3A_1096 = arith.constant 128 : i32
    %mul3A_1097 = arith.muli %arg0, %mul3A_1096 : i32
    %add3A_1098 = arith.constant 48 : i32
    %add3A_1099 = arith.addi %mul3A_1097, %add3A_1098 : i32
    %add3A_1100 = arith.constant 6 : i32
    %add3A_1101 = arith.addi %add3A_1099, %add3A_1100 : i32
    %get3A_1102 = arith.index_cast %add3A_1101 : i32 to index
    %get3A_1103 = memref.load %arg1[%get3A_1102] : memref<16384xi32, #tpu.memory_space<smem>>
    %max3A_1104 = arith.constant -4096 : i32
    %max3A_1105 = arith.maxsi %get3A_1103, %max3A_1104 : i32
    %min3A_1106 = arith.constant 4095 : i32
    %min3A_1107 = arith.minsi %max3A_1105, %min3A_1106 : i32
    %add3A_1108 = arith.constant 4096 : i32
    %add3A_1109 = arith.addi %min3A_1107, %add3A_1108 : i32
    %get3A_1110 = arith.index_cast %add3A_1109 : i32 to index
    %get3A_1111 = arith.constant 0 : index
    %get3A_1112 = arith.constant 0 : index
    %get3A_1113 = vector.load %arg2[%get3A_1110, %get3A_1111, %get3A_1112] : memref<8192x8x128xf32, #tpu.memory_space<vmem>>, vector<1x8x128xf32>
    %get3A_1114 = vector.shape_cast %get3A_1113 : vector<1x8x128xf32> to vector<8x128xf32>
    %mul3A_1115 = arith.constant 128 : i32
    %mul3A_1116 = arith.muli %arg0, %mul3A_1115 : i32
    %add3A_1117 = arith.constant 48 : i32
    %add3A_1118 = arith.addi %mul3A_1116, %add3A_1117 : i32
    %add3A_1119 = arith.constant 7 : i32
    %add3A_1120 = arith.addi %add3A_1118, %add3A_1119 : i32
    %get3A_1121 = arith.index_cast %add3A_1120 : i32 to index
    %get3A_1122 = memref.load %arg1[%get3A_1121] : memref<16384xi32, #tpu.memory_space<smem>>
    %max3A_1123 = arith.constant -4096 : i32
    %max3A_1124 = arith.maxsi %get3A_1122, %max3A_1123 : i32
    %min3A_1125 = arith.constant 4095 : i32
    %min3A_1126 = arith.minsi %max3A_1124, %min3A_1125 : i32
    %add3A_1127 = arith.constant 4096 : i32
    %add3A_1128 = arith.addi %min3A_1126, %add3A_1127 : i32
    %get3A_1129 = arith.index_cast %add3A_1128 : i32 to index
    %get3A_1130 = arith.constant 0 : index
    %get3A_1131 = arith.constant 0 : index
    %get3A_1132 = vector.load %arg2[%get3A_1129, %get3A_1130, %get3A_1131] : memref<8192x8x128xf32, #tpu.memory_space<vmem>>, vector<1x8x128xf32>
    %get3A_1133 = vector.shape_cast %get3A_1132 : vector<1x8x128xf32> to vector<8x128xf32>
    %stack3A_1134 = vector.shape_cast %get3A_1000 : vector<8x128xf32> to vector<1x8x128xf32>
    %stack3A_1135 = vector.shape_cast %get3A_1019 : vector<8x128xf32> to vector<1x8x128xf32>
    %stack3A_1136 = vector.shape_cast %get3A_1038 : vector<8x128xf32> to vector<1x8x128xf32>
    %stack3A_1137 = vector.shape_cast %get3A_1057 : vector<8x128xf32> to vector<1x8x128xf32>
    %stack3A_1138 = vector.shape_cast %get3A_1076 : vector<8x128xf32> to vector<1x8x128xf32>
    %stack3A_1139 = vector.shape_cast %get3A_1095 : vector<8x128xf32> to vector<1x8x128xf32>
    %stack3A_1140 = vector.shape_cast %get3A_1114 : vector<8x128xf32> to vector<1x8x128xf32>
    %stack3A_1141 = vector.shape_cast %get3A_1133 : vector<8x128xf32> to vector<1x8x128xf32>
    %stack3A_1142 = tpu.concatenate %stack3A_1134, %stack3A_1135, %stack3A_1136, %stack3A_1137, %stack3A_1138, %stack3A_1139, %stack3A_1140, %stack3A_1141 in 0 : vector<1x8x128xf32>, vector<1x8x128xf32>, vector<1x8x128xf32>, vector<1x8x128xf32>, vector<1x8x128xf32>, vector<1x8x128xf32>, vector<1x8x128xf32>, vector<1x8x128xf32> -> vector<8x8x128xf32>
    %reshape3A_1143 = vector.shape_cast %stack3A_1142 : vector<8x8x128xf32> to vector<8x1024xf32>
    %swap3A_1144 = arith.constant 48 : index
    %swap3A_1145 = arith.constant 0 : index
    %swap3A_1146 = vector.load %arg3[%swap3A_1144, %swap3A_1145] : memref<128x1024xf32, #tpu.memory_space<vmem>>, vector<8x1024xf32>
    tpu.vector_store %arg3[%swap3A_1144, %swap3A_1145], %reshape3A_1143 {strides = array<i32>} : memref<128x1024xf32, #tpu.memory_space<vmem>>, vector<8x1024xf32>,
    %mul3A_1147 = arith.constant 128 : i32
    %mul3A_1148 = arith.muli %arg0, %mul3A_1147 : i32
    %add3A_1149 = arith.constant 56 : i32
    %add3A_1150 = arith.addi %mul3A_1148, %add3A_1149 : i32
    %add3A_1151 = arith.constant 0 : i32
    %add3A_1152 = arith.addi %add3A_1150, %add3A_1151 : i32
    %get3A_1153 = arith.index_cast %add3A_1152 : i32 to index
    %get3A_1154 = memref.load %arg1[%get3A_1153] : memref<16384xi32, #tpu.memory_space<smem>>
    %max3A_1155 = arith.constant -4096 : i32
    %max3A_1156 = arith.maxsi %get3A_1154, %max3A_1155 : i32
    %min3A_1157 = arith.constant 4095 : i32
    %min3A_1158 = arith.minsi %max3A_1156, %min3A_1157 : i32
    %add3A_1159 = arith.constant 4096 : i32
    %add3A_1160 = arith.addi %min3A_1158, %add3A_1159 : i32
    %get3A_1161 = arith.index_cast %add3A_1160 : i32 to index
    %get3A_1162 = arith.constant 0 : index
    %get3A_1163 = arith.constant 0 : index
    %get3A_1164 = vector.load %arg2[%get3A_1161, %get3A_1162, %get3A_1163] : memref<8192x8x128xf32, #tpu.memory_space<vmem>>, vector<1x8x128xf32>
    %get3A_1165 = vector.shape_cast %get3A_1164 : vector<1x8x128xf32> to vector<8x128xf32>
    %mul3A_1166 = arith.constant 128 : i32
    %mul3A_1167 = arith.muli %arg0, %mul3A_1166 : i32
    %add3A_1168 = arith.constant 56 : i32
    %add3A_1169 = arith.addi %mul3A_1167, %add3A_1168 : i32
    %add3A_1170 = arith.constant 1 : i32
    %add3A_1171 = arith.addi %add3A_1169, %add3A_1170 : i32
    %get3A_1172 = arith.index_cast %add3A_1171 : i32 to index
    %get3A_1173 = memref.load %arg1[%get3A_1172] : memref<16384xi32, #tpu.memory_space<smem>>
    %max3A_1174 = arith.constant -4096 : i32
    %max3A_1175 = arith.maxsi %get3A_1173, %max3A_1174 : i32
    %min3A_1176 = arith.constant 4095 : i32
    %min3A_1177 = arith.minsi %max3A_1175, %min3A_1176 : i32
    %add3A_1178 = arith.constant 4096 : i32
    %add3A_1179 = arith.addi %min3A_1177, %add3A_1178 : i32
    %get3A_1180 = arith.index_cast %add3A_1179 : i32 to index
    %get3A_1181 = arith.constant 0 : index
    %get3A_1182 = arith.constant 0 : index
    %get3A_1183 = vector.load %arg2[%get3A_1180, %get3A_1181, %get3A_1182] : memref<8192x8x128xf32, #tpu.memory_space<vmem>>, vector<1x8x128xf32>
    %get3A_1184 = vector.shape_cast %get3A_1183 : vector<1x8x128xf32> to vector<8x128xf32>
    %mul3A_1185 = arith.constant 128 : i32
    %mul3A_1186 = arith.muli %arg0, %mul3A_1185 : i32
    %add3A_1187 = arith.constant 56 : i32
    %add3A_1188 = arith.addi %mul3A_1186, %add3A_1187 : i32
    %add3A_1189 = arith.constant 2 : i32
    %add3A_1190 = arith.addi %add3A_1188, %add3A_1189 : i32
    %get3A_1191 = arith.index_cast %add3A_1190 : i32 to index
    %get3A_1192 = memref.load %arg1[%get3A_1191] : memref<16384xi32, #tpu.memory_space<smem>>
    %max3A_1193 = arith.constant -4096 : i32
    %max3A_1194 = arith.maxsi %get3A_1192, %max3A_1193 : i32
    %min3A_1195 = arith.constant 4095 : i32
    %min3A_1196 = arith.minsi %max3A_1194, %min3A_1195 : i32
    %add3A_1197 = arith.constant 4096 : i32
    %add3A_1198 = arith.addi %min3A_1196, %add3A_1197 : i32
    %get3A_1199 = arith.index_cast %add3A_1198 : i32 to index
    %get3A_1200 = arith.constant 0 : index
    %get3A_1201 = arith.constant 0 : index
    %get3A_1202 = vector.load %arg2[%get3A_1199, %get3A_1200, %get3A_1201] : memref<8192x8x128xf32, #tpu.memory_space<vmem>>, vector<1x8x128xf32>
    %get3A_1203 = vector.shape_cast %get3A_1202 : vector<1x8x128xf32> to vector<8x128xf32>
    %mul3A_1204 = arith.constant 128 : i32
    %mul3A_1205 = arith.muli %arg0, %mul3A_1204 : i32
    %add3A_1206 = arith.constant 56 : i32
    %add3A_1207 = arith.addi %mul3A_1205, %add3A_1206 : i32
    %add3A_1208 = arith.constant 3 : i32
    %add3A_1209 = arith.addi %add3A_1207, %add3A_1208 : i32
    %get3A_1210 = arith.index_cast %add3A_1209 : i32 to index
    %get3A_1211 = memref.load %arg1[%get3A_1210] : memref<16384xi32, #tpu.memory_space<smem>>
    %max3A_1212 = arith.constant -4096 : i32
    %max3A_1213 = arith.maxsi %get3A_1211, %max3A_1212 : i32
    %min3A_1214 = arith.constant 4095 : i32
    %min3A_1215 = arith.minsi %max3A_1213, %min3A_1214 : i32
    %add3A_1216 = arith.constant 4096 : i32
    %add3A_1217 = arith.addi %min3A_1215, %add3A_1216 : i32
    %get3A_1218 = arith.index_cast %add3A_1217 : i32 to index
    %get3A_1219 = arith.constant 0 : index
    %get3A_1220 = arith.constant 0 : index
    %get3A_1221 = vector.load %arg2[%get3A_1218, %get3A_1219, %get3A_1220] : memref<8192x8x128xf32, #tpu.memory_space<vmem>>, vector<1x8x128xf32>
    %get3A_1222 = vector.shape_cast %get3A_1221 : vector<1x8x128xf32> to vector<8x128xf32>
    %mul3A_1223 = arith.constant 128 : i32
    %mul3A_1224 = arith.muli %arg0, %mul3A_1223 : i32
    %add3A_1225 = arith.constant 56 : i32
    %add3A_1226 = arith.addi %mul3A_1224, %add3A_1225 : i32
    %add3A_1227 = arith.constant 4 : i32
    %add3A_1228 = arith.addi %add3A_1226, %add3A_1227 : i32
    %get3A_1229 = arith.index_cast %add3A_1228 : i32 to index
    %get3A_1230 = memref.load %arg1[%get3A_1229] : memref<16384xi32, #tpu.memory_space<smem>>
    %max3A_1231 = arith.constant -4096 : i32
    %max3A_1232 = arith.maxsi %get3A_1230, %max3A_1231 : i32
    %min3A_1233 = arith.constant 4095 : i32
    %min3A_1234 = arith.minsi %max3A_1232, %min3A_1233 : i32
    %add3A_1235 = arith.constant 4096 : i32
    %add3A_1236 = arith.addi %min3A_1234, %add3A_1235 : i32
    %get3A_1237 = arith.index_cast %add3A_1236 : i32 to index
    %get3A_1238 = arith.constant 0 : index
    %get3A_1239 = arith.constant 0 : index
    %get3A_1240 = vector.load %arg2[%get3A_1237, %get3A_1238, %get3A_1239] : memref<8192x8x128xf32, #tpu.memory_space<vmem>>, vector<1x8x128xf32>
    %get3A_1241 = vector.shape_cast %get3A_1240 : vector<1x8x128xf32> to vector<8x128xf32>
    %mul3A_1242 = arith.constant 128 : i32
    %mul3A_1243 = arith.muli %arg0, %mul3A_1242 : i32
    %add3A_1244 = arith.constant 56 : i32
    %add3A_1245 = arith.addi %mul3A_1243, %add3A_1244 : i32
    %add3A_1246 = arith.constant 5 : i32
    %add3A_1247 = arith.addi %add3A_1245, %add3A_1246 : i32
    %get3A_1248 = arith.index_cast %add3A_1247 : i32 to index
    %get3A_1249 = memref.load %arg1[%get3A_1248] : memref<16384xi32, #tpu.memory_space<smem>>
    %max3A_1250 = arith.constant -4096 : i32
    %max3A_1251 = arith.maxsi %get3A_1249, %max3A_1250 : i32
    %min3A_1252 = arith.constant 4095 : i32
    %min3A_1253 = arith.minsi %max3A_1251, %min3A_1252 : i32
    %add3A_1254 = arith.constant 4096 : i32
    %add3A_1255 = arith.addi %min3A_1253, %add3A_1254 : i32
    %get3A_1256 = arith.index_cast %add3A_1255 : i32 to index
    %get3A_1257 = arith.constant 0 : index
    %get3A_1258 = arith.constant 0 : index
    %get3A_1259 = vector.load %arg2[%get3A_1256, %get3A_1257, %get3A_1258] : memref<8192x8x128xf32, #tpu.memory_space<vmem>>, vector<1x8x128xf32>
    %get3A_1260 = vector.shape_cast %get3A_1259 : vector<1x8x128xf32> to vector<8x128xf32>
    %mul3A_1261 = arith.constant 128 : i32
    %mul3A_1262 = arith.muli %arg0, %mul3A_1261 : i32
    %add3A_1263 = arith.constant 56 : i32
    %add3A_1264 = arith.addi %mul3A_1262, %add3A_1263 : i32
    %add3A_1265 = arith.constant 6 : i32
    %add3A_1266 = arith.addi %add3A_1264, %add3A_1265 : i32
    %get3A_1267 = arith.index_cast %add3A_1266 : i32 to index
    %get3A_1268 = memref.load %arg1[%get3A_1267] : memref<16384xi32, #tpu.memory_space<smem>>
    %max3A_1269 = arith.constant -4096 : i32
    %max3A_1270 = arith.maxsi %get3A_1268, %max3A_1269 : i32
    %min3A_1271 = arith.constant 4095 : i32
    %min3A_1272 = arith.minsi %max3A_1270, %min3A_1271 : i32
    %add3A_1273 = arith.constant 4096 : i32
    %add3A_1274 = arith.addi %min3A_1272, %add3A_1273 : i32
    %get3A_1275 = arith.index_cast %add3A_1274 : i32 to index
    %get3A_1276 = arith.constant 0 : index
    %get3A_1277 = arith.constant 0 : index
    %get3A_1278 = vector.load %arg2[%get3A_1275, %get3A_1276, %get3A_1277] : memref<8192x8x128xf32, #tpu.memory_space<vmem>>, vector<1x8x128xf32>
    %get3A_1279 = vector.shape_cast %get3A_1278 : vector<1x8x128xf32> to vector<8x128xf32>
    %mul3A_1280 = arith.constant 128 : i32
    %mul3A_1281 = arith.muli %arg0, %mul3A_1280 : i32
    %add3A_1282 = arith.constant 56 : i32
    %add3A_1283 = arith.addi %mul3A_1281, %add3A_1282 : i32
    %add3A_1284 = arith.constant 7 : i32
    %add3A_1285 = arith.addi %add3A_1283, %add3A_1284 : i32
    %get3A_1286 = arith.index_cast %add3A_1285 : i32 to index
    %get3A_1287 = memref.load %arg1[%get3A_1286] : memref<16384xi32, #tpu.memory_space<smem>>
    %max3A_1288 = arith.constant -4096 : i32
    %max3A_1289 = arith.maxsi %get3A_1287, %max3A_1288 : i32
    %min3A_1290 = arith.constant 4095 : i32
    %min3A_1291 = arith.minsi %max3A_1289, %min3A_1290 : i32
    %add3A_1292 = arith.constant 4096 : i32
    %add3A_1293 = arith.addi %min3A_1291, %add3A_1292 : i32
    %get3A_1294 = arith.index_cast %add3A_1293 : i32 to index
    %get3A_1295 = arith.constant 0 : index
    %get3A_1296 = arith.constant 0 : index
    %get3A_1297 = vector.load %arg2[%get3A_1294, %get3A_1295, %get3A_1296] : memref<8192x8x128xf32, #tpu.memory_space<vmem>>, vector<1x8x128xf32>
    %get3A_1298 = vector.shape_cast %get3A_1297 : vector<1x8x128xf32> to vector<8x128xf32>
    %stack3A_1299 = vector.shape_cast %get3A_1165 : vector<8x128xf32> to vector<1x8x128xf32>
    %stack3A_1300 = vector.shape_cast %get3A_1184 : vector<8x128xf32> to vector<1x8x128xf32>
    %stack3A_1301 = vector.shape_cast %get3A_1203 : vector<8x128xf32> to vector<1x8x128xf32>
    %stack3A_1302 = vector.shape_cast %get3A_1222 : vector<8x128xf32> to vector<1x8x128xf32>
    %stack3A_1303 = vector.shape_cast %get3A_1241 : vector<8x128xf32> to vector<1x8x128xf32>
    %stack3A_1304 = vector.shape_cast %get3A_1260 : vector<8x128xf32> to vector<1x8x128xf32>
    %stack3A_1305 = vector.shape_cast %get3A_1279 : vector<8x128xf32> to vector<1x8x128xf32>
    %stack3A_1306 = vector.shape_cast %get3A_1298 : vector<8x128xf32> to vector<1x8x128xf32>
    %stack3A_1307 = tpu.concatenate %stack3A_1299, %stack3A_1300, %stack3A_1301, %stack3A_1302, %stack3A_1303, %stack3A_1304, %stack3A_1305, %stack3A_1306 in 0 : vector<1x8x128xf32>, vector<1x8x128xf32>, vector<1x8x128xf32>, vector<1x8x128xf32>, vector<1x8x128xf32>, vector<1x8x128xf32>, vector<1x8x128xf32>, vector<1x8x128xf32> -> vector<8x8x128xf32>
    %reshape3A_1308 = vector.shape_cast %stack3A_1307 : vector<8x8x128xf32> to vector<8x1024xf32>
    %swap3A_1309 = arith.constant 56 : index
    %swap3A_1310 = arith.constant 0 : index
    %swap3A_1311 = vector.load %arg3[%swap3A_1309, %swap3A_1310] : memref<128x1024xf32, #tpu.memory_space<vmem>>, vector<8x1024xf32>
    tpu.vector_store %arg3[%swap3A_1309, %swap3A_1310], %reshape3A_1308 {strides = array<i32>} : memref<128x1024xf32, #tpu.memory_space<vmem>>, vector<8x1024xf32>,
    %mul3A_1312 = arith.constant 128 : i32
    %mul3A_1313 = arith.muli %arg0, %mul3A_1312 : i32
    %add3A_1314 = arith.constant 64 : i32
    %add3A_1315 = arith.addi %mul3A_1313, %add3A_1314 : i32
    %add3A_1316 = arith.constant 0 : i32
    %add3A_1317 = arith.addi %add3A_1315, %add3A_1316 : i32
    %get3A_1318 = arith.index_cast %add3A_1317 : i32 to index
    %get3A_1319 = memref.load %arg1[%get3A_1318] : memref<16384xi32, #tpu.memory_space<smem>>
    %max3A_1320 = arith.constant -4096 : i32
    %max3A_1321 = arith.maxsi %get3A_1319, %max3A_1320 : i32
    %min3A_1322 = arith.constant 4095 : i32
    %min3A_1323 = arith.minsi %max3A_1321, %min3A_1322 : i32
    %add3A_1324 = arith.constant 4096 : i32
    %add3A_1325 = arith.addi %min3A_1323, %add3A_1324 : i32
    %get3A_1326 = arith.index_cast %add3A_1325 : i32 to index
    %get3A_1327 = arith.constant 0 : index
    %get3A_1328 = arith.constant 0 : index
    %get3A_1329 = vector.load %arg2[%get3A_1326, %get3A_1327, %get3A_1328] : memref<8192x8x128xf32, #tpu.memory_space<vmem>>, vector<1x8x128xf32>
    %get3A_1330 = vector.shape_cast %get3A_1329 : vector<1x8x128xf32> to vector<8x128xf32>
    %mul3A_1331 = arith.constant 128 : i32
    %mul3A_1332 = arith.muli %arg0, %mul3A_1331 : i32
    %add3A_1333 = arith.constant 64 : i32
    %add3A_1334 = arith.addi %mul3A_1332, %add3A_1333 : i32
    %add3A_1335 = arith.constant 1 : i32
    %add3A_1336 = arith.addi %add3A_1334, %add3A_1335 : i32
    %get3A_1337 = arith.index_cast %add3A_1336 : i32 to index
    %get3A_1338 = memref.load %arg1[%get3A_1337] : memref<16384xi32, #tpu.memory_space<smem>>
    %max3A_1339 = arith.constant -4096 : i32
    %max3A_1340 = arith.maxsi %get3A_1338, %max3A_1339 : i32
    %min3A_1341 = arith.constant 4095 : i32
    %min3A_1342 = arith.minsi %max3A_1340, %min3A_1341 : i32
    %add3A_1343 = arith.constant 4096 : i32
    %add3A_1344 = arith.addi %min3A_1342, %add3A_1343 : i32
    %get3A_1345 = arith.index_cast %add3A_1344 : i32 to index
    %get3A_1346 = arith.constant 0 : index
    %get3A_1347 = arith.constant 0 : index
    %get3A_1348 = vector.load %arg2[%get3A_1345, %get3A_1346, %get3A_1347] : memref<8192x8x128xf32, #tpu.memory_space<vmem>>, vector<1x8x128xf32>
    %get3A_1349 = vector.shape_cast %get3A_1348 : vector<1x8x128xf32> to vector<8x128xf32>
    %mul3A_1350 = arith.constant 128 : i32
    %mul3A_1351 = arith.muli %arg0, %mul3A_1350 : i32
    %add3A_1352 = arith.constant 64 : i32
    %add3A_1353 = arith.addi %mul3A_1351, %add3A_1352 : i32
    %add3A_1354 = arith.constant 2 : i32
    %add3A_1355 = arith.addi %add3A_1353, %add3A_1354 : i32
    %get3A_1356 = arith.index_cast %add3A_1355 : i32 to index
    %get3A_1357 = memref.load %arg1[%get3A_1356] : memref<16384xi32, #tpu.memory_space<smem>>
    %max3A_1358 = arith.constant -4096 : i32
    %max3A_1359 = arith.maxsi %get3A_1357, %max3A_1358 : i32
    %min3A_1360 = arith.constant 4095 : i32
    %min3A_1361 = arith.minsi %max3A_1359, %min3A_1360 : i32
    %add3A_1362 = arith.constant 4096 : i32
    %add3A_1363 = arith.addi %min3A_1361, %add3A_1362 : i32
    %get3A_1364 = arith.index_cast %add3A_1363 : i32 to index
    %get3A_1365 = arith.constant 0 : index
    %get3A_1366 = arith.constant 0 : index
    %get3A_1367 = vector.load %arg2[%get3A_1364, %get3A_1365, %get3A_1366] : memref<8192x8x128xf32, #tpu.memory_space<vmem>>, vector<1x8x128xf32>
    %get3A_1368 = vector.shape_cast %get3A_1367 : vector<1x8x128xf32> to vector<8x128xf32>
    %mul3A_1369 = arith.constant 128 : i32
    %mul3A_1370 = arith.muli %arg0, %mul3A_1369 : i32
    %add3A_1371 = arith.constant 64 : i32
    %add3A_1372 = arith.addi %mul3A_1370, %add3A_1371 : i32
    %add3A_1373 = arith.constant 3 : i32
    %add3A_1374 = arith.addi %add3A_1372, %add3A_1373 : i32
    %get3A_1375 = arith.index_cast %add3A_1374 : i32 to index
    %get3A_1376 = memref.load %arg1[%get3A_1375] : memref<16384xi32, #tpu.memory_space<smem>>
    %max3A_1377 = arith.constant -4096 : i32
    %max3A_1378 = arith.maxsi %get3A_1376, %max3A_1377 : i32
    %min3A_1379 = arith.constant 4095 : i32
    %min3A_1380 = arith.minsi %max3A_1378, %min3A_1379 : i32
    %add3A_1381 = arith.constant 4096 : i32
    %add3A_1382 = arith.addi %min3A_1380, %add3A_1381 : i32
    %get3A_1383 = arith.index_cast %add3A_1382 : i32 to index
    %get3A_1384 = arith.constant 0 : index
    %get3A_1385 = arith.constant 0 : index
    %get3A_1386 = vector.load %arg2[%get3A_1383, %get3A_1384, %get3A_1385] : memref<8192x8x128xf32, #tpu.memory_space<vmem>>, vector<1x8x128xf32>
    %get3A_1387 = vector.shape_cast %get3A_1386 : vector<1x8x128xf32> to vector<8x128xf32>
    %mul3A_1388 = arith.constant 128 : i32
    %mul3A_1389 = arith.muli %arg0, %mul3A_1388 : i32
    %add3A_1390 = arith.constant 64 : i32
    %add3A_1391 = arith.addi %mul3A_1389, %add3A_1390 : i32
    %add3A_1392 = arith.constant 4 : i32
    %add3A_1393 = arith.addi %add3A_1391, %add3A_1392 : i32
    %get3A_1394 = arith.index_cast %add3A_1393 : i32 to index
    %get3A_1395 = memref.load %arg1[%get3A_1394] : memref<16384xi32, #tpu.memory_space<smem>>
    %max3A_1396 = arith.constant -4096 : i32
    %max3A_1397 = arith.maxsi %get3A_1395, %max3A_1396 : i32
    %min3A_1398 = arith.constant 4095 : i32
    %min3A_1399 = arith.minsi %max3A_1397, %min3A_1398 : i32
    %add3A_1400 = arith.constant 4096 : i32
    %add3A_1401 = arith.addi %min3A_1399, %add3A_1400 : i32
    %get3A_1402 = arith.index_cast %add3A_1401 : i32 to index
    %get3A_1403 = arith.constant 0 : index
    %get3A_1404 = arith.constant 0 : index
    %get3A_1405 = vector.load %arg2[%get3A_1402, %get3A_1403, %get3A_1404] : memref<8192x8x128xf32, #tpu.memory_space<vmem>>, vector<1x8x128xf32>
    %get3A_1406 = vector.shape_cast %get3A_1405 : vector<1x8x128xf32> to vector<8x128xf32>
    %mul3A_1407 = arith.constant 128 : i32
    %mul3A_1408 = arith.muli %arg0, %mul3A_1407 : i32
    %add3A_1409 = arith.constant 64 : i32
    %add3A_1410 = arith.addi %mul3A_1408, %add3A_1409 : i32
    %add3A_1411 = arith.constant 5 : i32
    %add3A_1412 = arith.addi %add3A_1410, %add3A_1411 : i32
    %get3A_1413 = arith.index_cast %add3A_1412 : i32 to index
    %get3A_1414 = memref.load %arg1[%get3A_1413] : memref<16384xi32, #tpu.memory_space<smem>>
    %max3A_1415 = arith.constant -4096 : i32
    %max3A_1416 = arith.maxsi %get3A_1414, %max3A_1415 : i32
    %min3A_1417 = arith.constant 4095 : i32
    %min3A_1418 = arith.minsi %max3A_1416, %min3A_1417 : i32
    %add3A_1419 = arith.constant 4096 : i32
    %add3A_1420 = arith.addi %min3A_1418, %add3A_1419 : i32
    %get3A_1421 = arith.index_cast %add3A_1420 : i32 to index
    %get3A_1422 = arith.constant 0 : index
    %get3A_1423 = arith.constant 0 : index
    %get3A_1424 = vector.load %arg2[%get3A_1421, %get3A_1422, %get3A_1423] : memref<8192x8x128xf32, #tpu.memory_space<vmem>>, vector<1x8x128xf32>
    %get3A_1425 = vector.shape_cast %get3A_1424 : vector<1x8x128xf32> to vector<8x128xf32>
    %mul3A_1426 = arith.constant 128 : i32
    %mul3A_1427 = arith.muli %arg0, %mul3A_1426 : i32
    %add3A_1428 = arith.constant 64 : i32
    %add3A_1429 = arith.addi %mul3A_1427, %add3A_1428 : i32
    %add3A_1430 = arith.constant 6 : i32
    %add3A_1431 = arith.addi %add3A_1429, %add3A_1430 : i32
    %get3A_1432 = arith.index_cast %add3A_1431 : i32 to index
    %get3A_1433 = memref.load %arg1[%get3A_1432] : memref<16384xi32, #tpu.memory_space<smem>>
    %max3A_1434 = arith.constant -4096 : i32
    %max3A_1435 = arith.maxsi %get3A_1433, %max3A_1434 : i32
    %min3A_1436 = arith.constant 4095 : i32
    %min3A_1437 = arith.minsi %max3A_1435, %min3A_1436 : i32
    %add3A_1438 = arith.constant 4096 : i32
    %add3A_1439 = arith.addi %min3A_1437, %add3A_1438 : i32
    %get3A_1440 = arith.index_cast %add3A_1439 : i32 to index
    %get3A_1441 = arith.constant 0 : index
    %get3A_1442 = arith.constant 0 : index
    %get3A_1443 = vector.load %arg2[%get3A_1440, %get3A_1441, %get3A_1442] : memref<8192x8x128xf32, #tpu.memory_space<vmem>>, vector<1x8x128xf32>
    %get3A_1444 = vector.shape_cast %get3A_1443 : vector<1x8x128xf32> to vector<8x128xf32>
    %mul3A_1445 = arith.constant 128 : i32
    %mul3A_1446 = arith.muli %arg0, %mul3A_1445 : i32
    %add3A_1447 = arith.constant 64 : i32
    %add3A_1448 = arith.addi %mul3A_1446, %add3A_1447 : i32
    %add3A_1449 = arith.constant 7 : i32
    %add3A_1450 = arith.addi %add3A_1448, %add3A_1449 : i32
    %get3A_1451 = arith.index_cast %add3A_1450 : i32 to index
    %get3A_1452 = memref.load %arg1[%get3A_1451] : memref<16384xi32, #tpu.memory_space<smem>>
    %max3A_1453 = arith.constant -4096 : i32
    %max3A_1454 = arith.maxsi %get3A_1452, %max3A_1453 : i32
    %min3A_1455 = arith.constant 4095 : i32
    %min3A_1456 = arith.minsi %max3A_1454, %min3A_1455 : i32
    %add3A_1457 = arith.constant 4096 : i32
    %add3A_1458 = arith.addi %min3A_1456, %add3A_1457 : i32
    %get3A_1459 = arith.index_cast %add3A_1458 : i32 to index
    %get3A_1460 = arith.constant 0 : index
    %get3A_1461 = arith.constant 0 : index
    %get3A_1462 = vector.load %arg2[%get3A_1459, %get3A_1460, %get3A_1461] : memref<8192x8x128xf32, #tpu.memory_space<vmem>>, vector<1x8x128xf32>
    %get3A_1463 = vector.shape_cast %get3A_1462 : vector<1x8x128xf32> to vector<8x128xf32>
    %stack3A_1464 = vector.shape_cast %get3A_1330 : vector<8x128xf32> to vector<1x8x128xf32>
    %stack3A_1465 = vector.shape_cast %get3A_1349 : vector<8x128xf32> to vector<1x8x128xf32>
    %stack3A_1466 = vector.shape_cast %get3A_1368 : vector<8x128xf32> to vector<1x8x128xf32>
    %stack3A_1467 = vector.shape_cast %get3A_1387 : vector<8x128xf32> to vector<1x8x128xf32>
    %stack3A_1468 = vector.shape_cast %get3A_1406 : vector<8x128xf32> to vector<1x8x128xf32>
    %stack3A_1469 = vector.shape_cast %get3A_1425 : vector<8x128xf32> to vector<1x8x128xf32>
    %stack3A_1470 = vector.shape_cast %get3A_1444 : vector<8x128xf32> to vector<1x8x128xf32>
    %stack3A_1471 = vector.shape_cast %get3A_1463 : vector<8x128xf32> to vector<1x8x128xf32>
    %stack3A_1472 = tpu.concatenate %stack3A_1464, %stack3A_1465, %stack3A_1466, %stack3A_1467, %stack3A_1468, %stack3A_1469, %stack3A_1470, %stack3A_1471 in 0 : vector<1x8x128xf32>, vector<1x8x128xf32>, vector<1x8x128xf32>, vector<1x8x128xf32>, vector<1x8x128xf32>, vector<1x8x128xf32>, vector<1x8x128xf32>, vector<1x8x128xf32> -> vector<8x8x128xf32>
    %reshape3A_1473 = vector.shape_cast %stack3A_1472 : vector<8x8x128xf32> to vector<8x1024xf32>
    %swap3A_1474 = arith.constant 64 : index
    %swap3A_1475 = arith.constant 0 : index
    %swap3A_1476 = vector.load %arg3[%swap3A_1474, %swap3A_1475] : memref<128x1024xf32, #tpu.memory_space<vmem>>, vector<8x1024xf32>
    tpu.vector_store %arg3[%swap3A_1474, %swap3A_1475], %reshape3A_1473 {strides = array<i32>} : memref<128x1024xf32, #tpu.memory_space<vmem>>, vector<8x1024xf32>,
    %mul3A_1477 = arith.constant 128 : i32
    %mul3A_1478 = arith.muli %arg0, %mul3A_1477 : i32
    %add3A_1479 = arith.constant 72 : i32
    %add3A_1480 = arith.addi %mul3A_1478, %add3A_1479 : i32
    %add3A_1481 = arith.constant 0 : i32
    %add3A_1482 = arith.addi %add3A_1480, %add3A_1481 : i32
    %get3A_1483 = arith.index_cast %add3A_1482 : i32 to index
    %get3A_1484 = memref.load %arg1[%get3A_1483] : memref<16384xi32, #tpu.memory_space<smem>>
    %max3A_1485 = arith.constant -4096 : i32
    %max3A_1486 = arith.maxsi %get3A_1484, %max3A_1485 : i32
    %min3A_1487 = arith.constant 4095 : i32
    %min3A_1488 = arith.minsi %max3A_1486, %min3A_1487 : i32
    %add3A_1489 = arith.constant 4096 : i32
    %add3A_1490 = arith.addi %min3A_1488, %add3A_1489 : i32
    %get3A_1491 = arith.index_cast %add3A_1490 : i32 to index
    %get3A_1492 = arith.constant 0 : index
    %get3A_1493 = arith.constant 0 : index
    %get3A_1494 = vector.load %arg2[%get3A_1491, %get3A_1492, %get3A_1493] : memref<8192x8x128xf32, #tpu.memory_space<vmem>>, vector<1x8x128xf32>
    %get3A_1495 = vector.shape_cast %get3A_1494 : vector<1x8x128xf32> to vector<8x128xf32>
    %mul3A_1496 = arith.constant 128 : i32
    %mul3A_1497 = arith.muli %arg0, %mul3A_1496 : i32
    %add3A_1498 = arith.constant 72 : i32
    %add3A_1499 = arith.addi %mul3A_1497, %add3A_1498 : i32
    %add3A_1500 = arith.constant 1 : i32
    %add3A_1501 = arith.addi %add3A_1499, %add3A_1500 : i32
    %get3A_1502 = arith.index_cast %add3A_1501 : i32 to index
    %get3A_1503 = memref.load %arg1[%get3A_1502] : memref<16384xi32, #tpu.memory_space<smem>>
    %max3A_1504 = arith.constant -4096 : i32
    %max3A_1505 = arith.maxsi %get3A_1503, %max3A_1504 : i32
    %min3A_1506 = arith.constant 4095 : i32
    %min3A_1507 = arith.minsi %max3A_1505, %min3A_1506 : i32
    %add3A_1508 = arith.constant 4096 : i32
    %add3A_1509 = arith.addi %min3A_1507, %add3A_1508 : i32
    %get3A_1510 = arith.index_cast %add3A_1509 : i32 to index
    %get3A_1511 = arith.constant 0 : index
    %get3A_1512 = arith.constant 0 : index
    %get3A_1513 = vector.load %arg2[%get3A_1510, %get3A_1511, %get3A_1512] : memref<8192x8x128xf32, #tpu.memory_space<vmem>>, vector<1x8x128xf32>
    %get3A_1514 = vector.shape_cast %get3A_1513 : vector<1x8x128xf32> to vector<8x128xf32>
    %mul3A_1515 = arith.constant 128 : i32
    %mul3A_1516 = arith.muli %arg0, %mul3A_1515 : i32
    %add3A_1517 = arith.constant 72 : i32
    %add3A_1518 = arith.addi %mul3A_1516, %add3A_1517 : i32
    %add3A_1519 = arith.constant 2 : i32
    %add3A_1520 = arith.addi %add3A_1518, %add3A_1519 : i32
    %get3A_1521 = arith.index_cast %add3A_1520 : i32 to index
    %get3A_1522 = memref.load %arg1[%get3A_1521] : memref<16384xi32, #tpu.memory_space<smem>>
    %max3A_1523 = arith.constant -4096 : i32
    %max3A_1524 = arith.maxsi %get3A_1522, %max3A_1523 : i32
    %min3A_1525 = arith.constant 4095 : i32
    %min3A_1526 = arith.minsi %max3A_1524, %min3A_1525 : i32
    %add3A_1527 = arith.constant 4096 : i32
    %add3A_1528 = arith.addi %min3A_1526, %add3A_1527 : i32
    %get3A_1529 = arith.index_cast %add3A_1528 : i32 to index
    %get3A_1530 = arith.constant 0 : index
    %get3A_1531 = arith.constant 0 : index
    %get3A_1532 = vector.load %arg2[%get3A_1529, %get3A_1530, %get3A_1531] : memref<8192x8x128xf32, #tpu.memory_space<vmem>>, vector<1x8x128xf32>
    %get3A_1533 = vector.shape_cast %get3A_1532 : vector<1x8x128xf32> to vector<8x128xf32>
    %mul3A_1534 = arith.constant 128 : i32
    %mul3A_1535 = arith.muli %arg0, %mul3A_1534 : i32
    %add3A_1536 = arith.constant 72 : i32
    %add3A_1537 = arith.addi %mul3A_1535, %add3A_1536 : i32
    %add3A_1538 = arith.constant 3 : i32
    %add3A_1539 = arith.addi %add3A_1537, %add3A_1538 : i32
    %get3A_1540 = arith.index_cast %add3A_1539 : i32 to index
    %get3A_1541 = memref.load %arg1[%get3A_1540] : memref<16384xi32, #tpu.memory_space<smem>>
    %max3A_1542 = arith.constant -4096 : i32
    %max3A_1543 = arith.maxsi %get3A_1541, %max3A_1542 : i32
    %min3A_1544 = arith.constant 4095 : i32
    %min3A_1545 = arith.minsi %max3A_1543, %min3A_1544 : i32
    %add3A_1546 = arith.constant 4096 : i32
    %add3A_1547 = arith.addi %min3A_1545, %add3A_1546 : i32
    %get3A_1548 = arith.index_cast %add3A_1547 : i32 to index
    %get3A_1549 = arith.constant 0 : index
    %get3A_1550 = arith.constant 0 : index
    %get3A_1551 = vector.load %arg2[%get3A_1548, %get3A_1549, %get3A_1550] : memref<8192x8x128xf32, #tpu.memory_space<vmem>>, vector<1x8x128xf32>
    %get3A_1552 = vector.shape_cast %get3A_1551 : vector<1x8x128xf32> to vector<8x128xf32>
    %mul3A_1553 = arith.constant 128 : i32
    %mul3A_1554 = arith.muli %arg0, %mul3A_1553 : i32
    %add3A_1555 = arith.constant 72 : i32
    %add3A_1556 = arith.addi %mul3A_1554, %add3A_1555 : i32
    %add3A_1557 = arith.constant 4 : i32
    %add3A_1558 = arith.addi %add3A_1556, %add3A_1557 : i32
    %get3A_1559 = arith.index_cast %add3A_1558 : i32 to index
    %get3A_1560 = memref.load %arg1[%get3A_1559] : memref<16384xi32, #tpu.memory_space<smem>>
    %max3A_1561 = arith.constant -4096 : i32
    %max3A_1562 = arith.maxsi %get3A_1560, %max3A_1561 : i32
    %min3A_1563 = arith.constant 4095 : i32
    %min3A_1564 = arith.minsi %max3A_1562, %min3A_1563 : i32
    %add3A_1565 = arith.constant 4096 : i32
    %add3A_1566 = arith.addi %min3A_1564, %add3A_1565 : i32
    %get3A_1567 = arith.index_cast %add3A_1566 : i32 to index
    %get3A_1568 = arith.constant 0 : index
    %get3A_1569 = arith.constant 0 : index
    %get3A_1570 = vector.load %arg2[%get3A_1567, %get3A_1568, %get3A_1569] : memref<8192x8x128xf32, #tpu.memory_space<vmem>>, vector<1x8x128xf32>
    %get3A_1571 = vector.shape_cast %get3A_1570 : vector<1x8x128xf32> to vector<8x128xf32>
    %mul3A_1572 = arith.constant 128 : i32
    %mul3A_1573 = arith.muli %arg0, %mul3A_1572 : i32
    %add3A_1574 = arith.constant 72 : i32
    %add3A_1575 = arith.addi %mul3A_1573, %add3A_1574 : i32
    %add3A_1576 = arith.constant 5 : i32
    %add3A_1577 = arith.addi %add3A_1575, %add3A_1576 : i32
    %get3A_1578 = arith.index_cast %add3A_1577 : i32 to index
    %get3A_1579 = memref.load %arg1[%get3A_1578] : memref<16384xi32, #tpu.memory_space<smem>>
    %max3A_1580 = arith.constant -4096 : i32
    %max3A_1581 = arith.maxsi %get3A_1579, %max3A_1580 : i32
    %min3A_1582 = arith.constant 4095 : i32
    %min3A_1583 = arith.minsi %max3A_1581, %min3A_1582 : i32
    %add3A_1584 = arith.constant 4096 : i32
    %add3A_1585 = arith.addi %min3A_1583, %add3A_1584 : i32
    %get3A_1586 = arith.index_cast %add3A_1585 : i32 to index
    %get3A_1587 = arith.constant 0 : index
    %get3A_1588 = arith.constant 0 : index
    %get3A_1589 = vector.load %arg2[%get3A_1586, %get3A_1587, %get3A_1588] : memref<8192x8x128xf32, #tpu.memory_space<vmem>>, vector<1x8x128xf32>
    %get3A_1590 = vector.shape_cast %get3A_1589 : vector<1x8x128xf32> to vector<8x128xf32>
    %mul3A_1591 = arith.constant 128 : i32
    %mul3A_1592 = arith.muli %arg0, %mul3A_1591 : i32
    %add3A_1593 = arith.constant 72 : i32
    %add3A_1594 = arith.addi %mul3A_1592, %add3A_1593 : i32
    %add3A_1595 = arith.constant 6 : i32
    %add3A_1596 = arith.addi %add3A_1594, %add3A_1595 : i32
    %get3A_1597 = arith.index_cast %add3A_1596 : i32 to index
    %get3A_1598 = memref.load %arg1[%get3A_1597] : memref<16384xi32, #tpu.memory_space<smem>>
    %max3A_1599 = arith.constant -4096 : i32
    %max3A_1600 = arith.maxsi %get3A_1598, %max3A_1599 : i32
    %min3A_1601 = arith.constant 4095 : i32
    %min3A_1602 = arith.minsi %max3A_1600, %min3A_1601 : i32
    %add3A_1603 = arith.constant 4096 : i32
    %add3A_1604 = arith.addi %min3A_1602, %add3A_1603 : i32
    %get3A_1605 = arith.index_cast %add3A_1604 : i32 to index
    %get3A_1606 = arith.constant 0 : index
    %get3A_1607 = arith.constant 0 : index
    %get3A_1608 = vector.load %arg2[%get3A_1605, %get3A_1606, %get3A_1607] : memref<8192x8x128xf32, #tpu.memory_space<vmem>>, vector<1x8x128xf32>
    %get3A_1609 = vector.shape_cast %get3A_1608 : vector<1x8x128xf32> to vector<8x128xf32>
    %mul3A_1610 = arith.constant 128 : i32
    %mul3A_1611 = arith.muli %arg0, %mul3A_1610 : i32
    %add3A_1612 = arith.constant 72 : i32
    %add3A_1613 = arith.addi %mul3A_1611, %add3A_1612 : i32
    %add3A_1614 = arith.constant 7 : i32
    %add3A_1615 = arith.addi %add3A_1613, %add3A_1614 : i32
    %get3A_1616 = arith.index_cast %add3A_1615 : i32 to index
    %get3A_1617 = memref.load %arg1[%get3A_1616] : memref<16384xi32, #tpu.memory_space<smem>>
    %max3A_1618 = arith.constant -4096 : i32
    %max3A_1619 = arith.maxsi %get3A_1617, %max3A_1618 : i32
    %min3A_1620 = arith.constant 4095 : i32
    %min3A_1621 = arith.minsi %max3A_1619, %min3A_1620 : i32
    %add3A_1622 = arith.constant 4096 : i32
    %add3A_1623 = arith.addi %min3A_1621, %add3A_1622 : i32
    %get3A_1624 = arith.index_cast %add3A_1623 : i32 to index
    %get3A_1625 = arith.constant 0 : index
    %get3A_1626 = arith.constant 0 : index
    %get3A_1627 = vector.load %arg2[%get3A_1624, %get3A_1625, %get3A_1626] : memref<8192x8x128xf32, #tpu.memory_space<vmem>>, vector<1x8x128xf32>
    %get3A_1628 = vector.shape_cast %get3A_1627 : vector<1x8x128xf32> to vector<8x128xf32>
    %stack3A_1629 = vector.shape_cast %get3A_1495 : vector<8x128xf32> to vector<1x8x128xf32>
    %stack3A_1630 = vector.shape_cast %get3A_1514 : vector<8x128xf32> to vector<1x8x128xf32>
    %stack3A_1631 = vector.shape_cast %get3A_1533 : vector<8x128xf32> to vector<1x8x128xf32>
    %stack3A_1632 = vector.shape_cast %get3A_1552 : vector<8x128xf32> to vector<1x8x128xf32>
    %stack3A_1633 = vector.shape_cast %get3A_1571 : vector<8x128xf32> to vector<1x8x128xf32>
    %stack3A_1634 = vector.shape_cast %get3A_1590 : vector<8x128xf32> to vector<1x8x128xf32>
    %stack3A_1635 = vector.shape_cast %get3A_1609 : vector<8x128xf32> to vector<1x8x128xf32>
    %stack3A_1636 = vector.shape_cast %get3A_1628 : vector<8x128xf32> to vector<1x8x128xf32>
    %stack3A_1637 = tpu.concatenate %stack3A_1629, %stack3A_1630, %stack3A_1631, %stack3A_1632, %stack3A_1633, %stack3A_1634, %stack3A_1635, %stack3A_1636 in 0 : vector<1x8x128xf32>, vector<1x8x128xf32>, vector<1x8x128xf32>, vector<1x8x128xf32>, vector<1x8x128xf32>, vector<1x8x128xf32>, vector<1x8x128xf32>, vector<1x8x128xf32> -> vector<8x8x128xf32>
    %reshape3A_1638 = vector.shape_cast %stack3A_1637 : vector<8x8x128xf32> to vector<8x1024xf32>
    %swap3A_1639 = arith.constant 72 : index
    %swap3A_1640 = arith.constant 0 : index
    %swap3A_1641 = vector.load %arg3[%swap3A_1639, %swap3A_1640] : memref<128x1024xf32, #tpu.memory_space<vmem>>, vector<8x1024xf32>
    tpu.vector_store %arg3[%swap3A_1639, %swap3A_1640], %reshape3A_1638 {strides = array<i32>} : memref<128x1024xf32, #tpu.memory_space<vmem>>, vector<8x1024xf32>,
    %mul3A_1642 = arith.constant 128 : i32
    %mul3A_1643 = arith.muli %arg0, %mul3A_1642 : i32
    %add3A_1644 = arith.constant 80 : i32
    %add3A_1645 = arith.addi %mul3A_1643, %add3A_1644 : i32
    %add3A_1646 = arith.constant 0 : i32
    %add3A_1647 = arith.addi %add3A_1645, %add3A_1646 : i32
    %get3A_1648 = arith.index_cast %add3A_1647 : i32 to index
    %get3A_1649 = memref.load %arg1[%get3A_1648] : memref<16384xi32, #tpu.memory_space<smem>>
    %max3A_1650 = arith.constant -4096 : i32
    %max3A_1651 = arith.maxsi %get3A_1649, %max3A_1650 : i32
    %min3A_1652 = arith.constant 4095 : i32
    %min3A_1653 = arith.minsi %max3A_1651, %min3A_1652 : i32
    %add3A_1654 = arith.constant 4096 : i32
    %add3A_1655 = arith.addi %min3A_1653, %add3A_1654 : i32
    %get3A_1656 = arith.index_cast %add3A_1655 : i32 to index
    %get3A_1657 = arith.constant 0 : index
    %get3A_1658 = arith.constant 0 : index
    %get3A_1659 = vector.load %arg2[%get3A_1656, %get3A_1657, %get3A_1658] : memref<8192x8x128xf32, #tpu.memory_space<vmem>>, vector<1x8x128xf32>
    %get3A_1660 = vector.shape_cast %get3A_1659 : vector<1x8x128xf32> to vector<8x128xf32>
    %mul3A_1661 = arith.constant 128 : i32
    %mul3A_1662 = arith.muli %arg0, %mul3A_1661 : i32
    %add3A_1663 = arith.constant 80 : i32
    %add3A_1664 = arith.addi %mul3A_1662, %add3A_1663 : i32
    %add3A_1665 = arith.constant 1 : i32
    %add3A_1666 = arith.addi %add3A_1664, %add3A_1665 : i32
    %get3A_1667 = arith.index_cast %add3A_1666 : i32 to index
    %get3A_1668 = memref.load %arg1[%get3A_1667] : memref<16384xi32, #tpu.memory_space<smem>>
    %max3A_1669 = arith.constant -4096 : i32
    %max3A_1670 = arith.maxsi %get3A_1668, %max3A_1669 : i32
    %min3A_1671 = arith.constant 4095 : i32
    %min3A_1672 = arith.minsi %max3A_1670, %min3A_1671 : i32
    %add3A_1673 = arith.constant 4096 : i32
    %add3A_1674 = arith.addi %min3A_1672, %add3A_1673 : i32
    %get3A_1675 = arith.index_cast %add3A_1674 : i32 to index
    %get3A_1676 = arith.constant 0 : index
    %get3A_1677 = arith.constant 0 : index
    %get3A_1678 = vector.load %arg2[%get3A_1675, %get3A_1676, %get3A_1677] : memref<8192x8x128xf32, #tpu.memory_space<vmem>>, vector<1x8x128xf32>
    %get3A_1679 = vector.shape_cast %get3A_1678 : vector<1x8x128xf32> to vector<8x128xf32>
    %mul3A_1680 = arith.constant 128 : i32
    %mul3A_1681 = arith.muli %arg0, %mul3A_1680 : i32
    %add3A_1682 = arith.constant 80 : i32
    %add3A_1683 = arith.addi %mul3A_1681, %add3A_1682 : i32
    %add3A_1684 = arith.constant 2 : i32
    %add3A_1685 = arith.addi %add3A_1683, %add3A_1684 : i32
    %get3A_1686 = arith.index_cast %add3A_1685 : i32 to index
    %get3A_1687 = memref.load %arg1[%get3A_1686] : memref<16384xi32, #tpu.memory_space<smem>>
    %max3A_1688 = arith.constant -4096 : i32
    %max3A_1689 = arith.maxsi %get3A_1687, %max3A_1688 : i32
    %min3A_1690 = arith.constant 4095 : i32
    %min3A_1691 = arith.minsi %max3A_1689, %min3A_1690 : i32
    %add3A_1692 = arith.constant 4096 : i32
    %add3A_1693 = arith.addi %min3A_1691, %add3A_1692 : i32
    %get3A_1694 = arith.index_cast %add3A_1693 : i32 to index
    %get3A_1695 = arith.constant 0 : index
    %get3A_1696 = arith.constant 0 : index
    %get3A_1697 = vector.load %arg2[%get3A_1694, %get3A_1695, %get3A_1696] : memref<8192x8x128xf32, #tpu.memory_space<vmem>>, vector<1x8x128xf32>
    %get3A_1698 = vector.shape_cast %get3A_1697 : vector<1x8x128xf32> to vector<8x128xf32>
    %mul3A_1699 = arith.constant 128 : i32
    %mul3A_1700 = arith.muli %arg0, %mul3A_1699 : i32
    %add3A_1701 = arith.constant 80 : i32
    %add3A_1702 = arith.addi %mul3A_1700, %add3A_1701 : i32
    %add3A_1703 = arith.constant 3 : i32
    %add3A_1704 = arith.addi %add3A_1702, %add3A_1703 : i32
    %get3A_1705 = arith.index_cast %add3A_1704 : i32 to index
    %get3A_1706 = memref.load %arg1[%get3A_1705] : memref<16384xi32, #tpu.memory_space<smem>>
    %max3A_1707 = arith.constant -4096 : i32
    %max3A_1708 = arith.maxsi %get3A_1706, %max3A_1707 : i32
    %min3A_1709 = arith.constant 4095 : i32
    %min3A_1710 = arith.minsi %max3A_1708, %min3A_1709 : i32
    %add3A_1711 = arith.constant 4096 : i32
    %add3A_1712 = arith.addi %min3A_1710, %add3A_1711 : i32
    %get3A_1713 = arith.index_cast %add3A_1712 : i32 to index
    %get3A_1714 = arith.constant 0 : index
    %get3A_1715 = arith.constant 0 : index
    %get3A_1716 = vector.load %arg2[%get3A_1713, %get3A_1714, %get3A_1715] : memref<8192x8x128xf32, #tpu.memory_space<vmem>>, vector<1x8x128xf32>
    %get3A_1717 = vector.shape_cast %get3A_1716 : vector<1x8x128xf32> to vector<8x128xf32>
    %mul3A_1718 = arith.constant 128 : i32
    %mul3A_1719 = arith.muli %arg0, %mul3A_1718 : i32
    %add3A_1720 = arith.constant 80 : i32
    %add3A_1721 = arith.addi %mul3A_1719, %add3A_1720 : i32
    %add3A_1722 = arith.constant 4 : i32
    %add3A_1723 = arith.addi %add3A_1721, %add3A_1722 : i32
    %get3A_1724 = arith.index_cast %add3A_1723 : i32 to index
    %get3A_1725 = memref.load %arg1[%get3A_1724] : memref<16384xi32, #tpu.memory_space<smem>>
    %max3A_1726 = arith.constant -4096 : i32
    %max3A_1727 = arith.maxsi %get3A_1725, %max3A_1726 : i32
    %min3A_1728 = arith.constant 4095 : i32
    %min3A_1729 = arith.minsi %max3A_1727, %min3A_1728 : i32
    %add3A_1730 = arith.constant 4096 : i32
    %add3A_1731 = arith.addi %min3A_1729, %add3A_1730 : i32
    %get3A_1732 = arith.index_cast %add3A_1731 : i32 to index
    %get3A_1733 = arith.constant 0 : index
    %get3A_1734 = arith.constant 0 : index
    %get3A_1735 = vector.load %arg2[%get3A_1732, %get3A_1733, %get3A_1734] : memref<8192x8x128xf32, #tpu.memory_space<vmem>>, vector<1x8x128xf32>
    %get3A_1736 = vector.shape_cast %get3A_1735 : vector<1x8x128xf32> to vector<8x128xf32>
    %mul3A_1737 = arith.constant 128 : i32
    %mul3A_1738 = arith.muli %arg0, %mul3A_1737 : i32
    %add3A_1739 = arith.constant 80 : i32
    %add3A_1740 = arith.addi %mul3A_1738, %add3A_1739 : i32
    %add3A_1741 = arith.constant 5 : i32
    %add3A_1742 = arith.addi %add3A_1740, %add3A_1741 : i32
    %get3A_1743 = arith.index_cast %add3A_1742 : i32 to index
    %get3A_1744 = memref.load %arg1[%get3A_1743] : memref<16384xi32, #tpu.memory_space<smem>>
    %max3A_1745 = arith.constant -4096 : i32
    %max3A_1746 = arith.maxsi %get3A_1744, %max3A_1745 : i32
    %min3A_1747 = arith.constant 4095 : i32
    %min3A_1748 = arith.minsi %max3A_1746, %min3A_1747 : i32
    %add3A_1749 = arith.constant 4096 : i32
    %add3A_1750 = arith.addi %min3A_1748, %add3A_1749 : i32
    %get3A_1751 = arith.index_cast %add3A_1750 : i32 to index
    %get3A_1752 = arith.constant 0 : index
    %get3A_1753 = arith.constant 0 : index
    %get3A_1754 = vector.load %arg2[%get3A_1751, %get3A_1752, %get3A_1753] : memref<8192x8x128xf32, #tpu.memory_space<vmem>>, vector<1x8x128xf32>
    %get3A_1755 = vector.shape_cast %get3A_1754 : vector<1x8x128xf32> to vector<8x128xf32>
    %mul3A_1756 = arith.constant 128 : i32
    %mul3A_1757 = arith.muli %arg0, %mul3A_1756 : i32
    %add3A_1758 = arith.constant 80 : i32
    %add3A_1759 = arith.addi %mul3A_1757, %add3A_1758 : i32
    %add3A_1760 = arith.constant 6 : i32
    %add3A_1761 = arith.addi %add3A_1759, %add3A_1760 : i32
    %get3A_1762 = arith.index_cast %add3A_1761 : i32 to index
    %get3A_1763 = memref.load %arg1[%get3A_1762] : memref<16384xi32, #tpu.memory_space<smem>>
    %max3A_1764 = arith.constant -4096 : i32
    %max3A_1765 = arith.maxsi %get3A_1763, %max3A_1764 : i32
    %min3A_1766 = arith.constant 4095 : i32
    %min3A_1767 = arith.minsi %max3A_1765, %min3A_1766 : i32
    %add3A_1768 = arith.constant 4096 : i32
    %add3A_1769 = arith.addi %min3A_1767, %add3A_1768 : i32
    %get3A_1770 = arith.index_cast %add3A_1769 : i32 to index
    %get3A_1771 = arith.constant 0 : index
    %get3A_1772 = arith.constant 0 : index
    %get3A_1773 = vector.load %arg2[%get3A_1770, %get3A_1771, %get3A_1772] : memref<8192x8x128xf32, #tpu.memory_space<vmem>>, vector<1x8x128xf32>
    %get3A_1774 = vector.shape_cast %get3A_1773 : vector<1x8x128xf32> to vector<8x128xf32>
    %mul3A_1775 = arith.constant 128 : i32
    %mul3A_1776 = arith.muli %arg0, %mul3A_1775 : i32
    %add3A_1777 = arith.constant 80 : i32
    %add3A_1778 = arith.addi %mul3A_1776, %add3A_1777 : i32
    %add3A_1779 = arith.constant 7 : i32
    %add3A_1780 = arith.addi %add3A_1778, %add3A_1779 : i32
    %get3A_1781 = arith.index_cast %add3A_1780 : i32 to index
    %get3A_1782 = memref.load %arg1[%get3A_1781] : memref<16384xi32, #tpu.memory_space<smem>>
    %max3A_1783 = arith.constant -4096 : i32
    %max3A_1784 = arith.maxsi %get3A_1782, %max3A_1783 : i32
    %min3A_1785 = arith.constant 4095 : i32
    %min3A_1786 = arith.minsi %max3A_1784, %min3A_1785 : i32
    %add3A_1787 = arith.constant 4096 : i32
    %add3A_1788 = arith.addi %min3A_1786, %add3A_1787 : i32
    %get3A_1789 = arith.index_cast %add3A_1788 : i32 to index
    %get3A_1790 = arith.constant 0 : index
    %get3A_1791 = arith.constant 0 : index
    %get3A_1792 = vector.load %arg2[%get3A_1789, %get3A_1790, %get3A_1791] : memref<8192x8x128xf32, #tpu.memory_space<vmem>>, vector<1x8x128xf32>
    %get3A_1793 = vector.shape_cast %get3A_1792 : vector<1x8x128xf32> to vector<8x128xf32>
    %stack3A_1794 = vector.shape_cast %get3A_1660 : vector<8x128xf32> to vector<1x8x128xf32>
    %stack3A_1795 = vector.shape_cast %get3A_1679 : vector<8x128xf32> to vector<1x8x128xf32>
    %stack3A_1796 = vector.shape_cast %get3A_1698 : vector<8x128xf32> to vector<1x8x128xf32>
    %stack3A_1797 = vector.shape_cast %get3A_1717 : vector<8x128xf32> to vector<1x8x128xf32>
    %stack3A_1798 = vector.shape_cast %get3A_1736 : vector<8x128xf32> to vector<1x8x128xf32>
    %stack3A_1799 = vector.shape_cast %get3A_1755 : vector<8x128xf32> to vector<1x8x128xf32>
    %stack3A_1800 = vector.shape_cast %get3A_1774 : vector<8x128xf32> to vector<1x8x128xf32>
    %stack3A_1801 = vector.shape_cast %get3A_1793 : vector<8x128xf32> to vector<1x8x128xf32>
    %stack3A_1802 = tpu.concatenate %stack3A_1794, %stack3A_1795, %stack3A_1796, %stack3A_1797, %stack3A_1798, %stack3A_1799, %stack3A_1800, %stack3A_1801 in 0 : vector<1x8x128xf32>, vector<1x8x128xf32>, vector<1x8x128xf32>, vector<1x8x128xf32>, vector<1x8x128xf32>, vector<1x8x128xf32>, vector<1x8x128xf32>, vector<1x8x128xf32> -> vector<8x8x128xf32>
    %reshape3A_1803 = vector.shape_cast %stack3A_1802 : vector<8x8x128xf32> to vector<8x1024xf32>
    %swap3A_1804 = arith.constant 80 : index
    %swap3A_1805 = arith.constant 0 : index
    %swap3A_1806 = vector.load %arg3[%swap3A_1804, %swap3A_1805] : memref<128x1024xf32, #tpu.memory_space<vmem>>, vector<8x1024xf32>
    tpu.vector_store %arg3[%swap3A_1804, %swap3A_1805], %reshape3A_1803 {strides = array<i32>} : memref<128x1024xf32, #tpu.memory_space<vmem>>, vector<8x1024xf32>,
    %mul3A_1807 = arith.constant 128 : i32
    %mul3A_1808 = arith.muli %arg0, %mul3A_1807 : i32
    %add3A_1809 = arith.constant 88 : i32
    %add3A_1810 = arith.addi %mul3A_1808, %add3A_1809 : i32
    %add3A_1811 = arith.constant 0 : i32
    %add3A_1812 = arith.addi %add3A_1810, %add3A_1811 : i32
    %get3A_1813 = arith.index_cast %add3A_1812 : i32 to index
    %get3A_1814 = memref.load %arg1[%get3A_1813] : memref<16384xi32, #tpu.memory_space<smem>>
    %max3A_1815 = arith.constant -4096 : i32
    %max3A_1816 = arith.maxsi %get3A_1814, %max3A_1815 : i32
    %min3A_1817 = arith.constant 4095 : i32
    %min3A_1818 = arith.minsi %max3A_1816, %min3A_1817 : i32
    %add3A_1819 = arith.constant 4096 : i32
    %add3A_1820 = arith.addi %min3A_1818, %add3A_1819 : i32
    %get3A_1821 = arith.index_cast %add3A_1820 : i32 to index
    %get3A_1822 = arith.constant 0 : index
    %get3A_1823 = arith.constant 0 : index
    %get3A_1824 = vector.load %arg2[%get3A_1821, %get3A_1822, %get3A_1823] : memref<8192x8x128xf32, #tpu.memory_space<vmem>>, vector<1x8x128xf32>
    %get3A_1825 = vector.shape_cast %get3A_1824 : vector<1x8x128xf32> to vector<8x128xf32>
    %mul3A_1826 = arith.constant 128 : i32
    %mul3A_1827 = arith.muli %arg0, %mul3A_1826 : i32
    %add3A_1828 = arith.constant 88 : i32
    %add3A_1829 = arith.addi %mul3A_1827, %add3A_1828 : i32
    %add3A_1830 = arith.constant 1 : i32
    %add3A_1831 = arith.addi %add3A_1829, %add3A_1830 : i32
    %get3A_1832 = arith.index_cast %add3A_1831 : i32 to index
    %get3A_1833 = memref.load %arg1[%get3A_1832] : memref<16384xi32, #tpu.memory_space<smem>>
    %max3A_1834 = arith.constant -4096 : i32
    %max3A_1835 = arith.maxsi %get3A_1833, %max3A_1834 : i32
    %min3A_1836 = arith.constant 4095 : i32
    %min3A_1837 = arith.minsi %max3A_1835, %min3A_1836 : i32
    %add3A_1838 = arith.constant 4096 : i32
    %add3A_1839 = arith.addi %min3A_1837, %add3A_1838 : i32
    %get3A_1840 = arith.index_cast %add3A_1839 : i32 to index
    %get3A_1841 = arith.constant 0 : index
    %get3A_1842 = arith.constant 0 : index
    %get3A_1843 = vector.load %arg2[%get3A_1840, %get3A_1841, %get3A_1842] : memref<8192x8x128xf32, #tpu.memory_space<vmem>>, vector<1x8x128xf32>
    %get3A_1844 = vector.shape_cast %get3A_1843 : vector<1x8x128xf32> to vector<8x128xf32>
    %mul3A_1845 = arith.constant 128 : i32
    %mul3A_1846 = arith.muli %arg0, %mul3A_1845 : i32
    %add3A_1847 = arith.constant 88 : i32
    %add3A_1848 = arith.addi %mul3A_1846, %add3A_1847 : i32
    %add3A_1849 = arith.constant 2 : i32
    %add3A_1850 = arith.addi %add3A_1848, %add3A_1849 : i32
    %get3A_1851 = arith.index_cast %add3A_1850 : i32 to index
    %get3A_1852 = memref.load %arg1[%get3A_1851] : memref<16384xi32, #tpu.memory_space<smem>>
    %max3A_1853 = arith.constant -4096 : i32
    %max3A_1854 = arith.maxsi %get3A_1852, %max3A_1853 : i32
    %min3A_1855 = arith.constant 4095 : i32
    %min3A_1856 = arith.minsi %max3A_1854, %min3A_1855 : i32
    %add3A_1857 = arith.constant 4096 : i32
    %add3A_1858 = arith.addi %min3A_1856, %add3A_1857 : i32
    %get3A_1859 = arith.index_cast %add3A_1858 : i32 to index
    %get3A_1860 = arith.constant 0 : index
    %get3A_1861 = arith.constant 0 : index
    %get3A_1862 = vector.load %arg2[%get3A_1859, %get3A_1860, %get3A_1861] : memref<8192x8x128xf32, #tpu.memory_space<vmem>>, vector<1x8x128xf32>
    %get3A_1863 = vector.shape_cast %get3A_1862 : vector<1x8x128xf32> to vector<8x128xf32>
    %mul3A_1864 = arith.constant 128 : i32
    %mul3A_1865 = arith.muli %arg0, %mul3A_1864 : i32
    %add3A_1866 = arith.constant 88 : i32
    %add3A_1867 = arith.addi %mul3A_1865, %add3A_1866 : i32
    %add3A_1868 = arith.constant 3 : i32
    %add3A_1869 = arith.addi %add3A_1867, %add3A_1868 : i32
    %get3A_1870 = arith.index_cast %add3A_1869 : i32 to index
    %get3A_1871 = memref.load %arg1[%get3A_1870] : memref<16384xi32, #tpu.memory_space<smem>>
    %max3A_1872 = arith.constant -4096 : i32
    %max3A_1873 = arith.maxsi %get3A_1871, %max3A_1872 : i32
    %min3A_1874 = arith.constant 4095 : i32
    %min3A_1875 = arith.minsi %max3A_1873, %min3A_1874 : i32
    %add3A_1876 = arith.constant 4096 : i32
    %add3A_1877 = arith.addi %min3A_1875, %add3A_1876 : i32
    %get3A_1878 = arith.index_cast %add3A_1877 : i32 to index
    %get3A_1879 = arith.constant 0 : index
    %get3A_1880 = arith.constant 0 : index
    %get3A_1881 = vector.load %arg2[%get3A_1878, %get3A_1879, %get3A_1880] : memref<8192x8x128xf32, #tpu.memory_space<vmem>>, vector<1x8x128xf32>
    %get3A_1882 = vector.shape_cast %get3A_1881 : vector<1x8x128xf32> to vector<8x128xf32>
    %mul3A_1883 = arith.constant 128 : i32
    %mul3A_1884 = arith.muli %arg0, %mul3A_1883 : i32
    %add3A_1885 = arith.constant 88 : i32
    %add3A_1886 = arith.addi %mul3A_1884, %add3A_1885 : i32
    %add3A_1887 = arith.constant 4 : i32
    %add3A_1888 = arith.addi %add3A_1886, %add3A_1887 : i32
    %get3A_1889 = arith.index_cast %add3A_1888 : i32 to index
    %get3A_1890 = memref.load %arg1[%get3A_1889] : memref<16384xi32, #tpu.memory_space<smem>>
    %max3A_1891 = arith.constant -4096 : i32
    %max3A_1892 = arith.maxsi %get3A_1890, %max3A_1891 : i32
    %min3A_1893 = arith.constant 4095 : i32
    %min3A_1894 = arith.minsi %max3A_1892, %min3A_1893 : i32
    %add3A_1895 = arith.constant 4096 : i32
    %add3A_1896 = arith.addi %min3A_1894, %add3A_1895 : i32
    %get3A_1897 = arith.index_cast %add3A_1896 : i32 to index
    %get3A_1898 = arith.constant 0 : index
    %get3A_1899 = arith.constant 0 : index
    %get3A_1900 = vector.load %arg2[%get3A_1897, %get3A_1898, %get3A_1899] : memref<8192x8x128xf32, #tpu.memory_space<vmem>>, vector<1x8x128xf32>
    %get3A_1901 = vector.shape_cast %get3A_1900 : vector<1x8x128xf32> to vector<8x128xf32>
    %mul3A_1902 = arith.constant 128 : i32
    %mul3A_1903 = arith.muli %arg0, %mul3A_1902 : i32
    %add3A_1904 = arith.constant 88 : i32
    %add3A_1905 = arith.addi %mul3A_1903, %add3A_1904 : i32
    %add3A_1906 = arith.constant 5 : i32
    %add3A_1907 = arith.addi %add3A_1905, %add3A_1906 : i32
    %get3A_1908 = arith.index_cast %add3A_1907 : i32 to index
    %get3A_1909 = memref.load %arg1[%get3A_1908] : memref<16384xi32, #tpu.memory_space<smem>>
    %max3A_1910 = arith.constant -4096 : i32
    %max3A_1911 = arith.maxsi %get3A_1909, %max3A_1910 : i32
    %min3A_1912 = arith.constant 4095 : i32
    %min3A_1913 = arith.minsi %max3A_1911, %min3A_1912 : i32
    %add3A_1914 = arith.constant 4096 : i32
    %add3A_1915 = arith.addi %min3A_1913, %add3A_1914 : i32
    %get3A_1916 = arith.index_cast %add3A_1915 : i32 to index
    %get3A_1917 = arith.constant 0 : index
    %get3A_1918 = arith.constant 0 : index
    %get3A_1919 = vector.load %arg2[%get3A_1916, %get3A_1917, %get3A_1918] : memref<8192x8x128xf32, #tpu.memory_space<vmem>>, vector<1x8x128xf32>
    %get3A_1920 = vector.shape_cast %get3A_1919 : vector<1x8x128xf32> to vector<8x128xf32>
    %mul3A_1921 = arith.constant 128 : i32
    %mul3A_1922 = arith.muli %arg0, %mul3A_1921 : i32
    %add3A_1923 = arith.constant 88 : i32
    %add3A_1924 = arith.addi %mul3A_1922, %add3A_1923 : i32
    %add3A_1925 = arith.constant 6 : i32
    %add3A_1926 = arith.addi %add3A_1924, %add3A_1925 : i32
    %get3A_1927 = arith.index_cast %add3A_1926 : i32 to index
    %get3A_1928 = memref.load %arg1[%get3A_1927] : memref<16384xi32, #tpu.memory_space<smem>>
    %max3A_1929 = arith.constant -4096 : i32
    %max3A_1930 = arith.maxsi %get3A_1928, %max3A_1929 : i32
    %min3A_1931 = arith.constant 4095 : i32
    %min3A_1932 = arith.minsi %max3A_1930, %min3A_1931 : i32
    %add3A_1933 = arith.constant 4096 : i32
    %add3A_1934 = arith.addi %min3A_1932, %add3A_1933 : i32
    %get3A_1935 = arith.index_cast %add3A_1934 : i32 to index
    %get3A_1936 = arith.constant 0 : index
    %get3A_1937 = arith.constant 0 : index
    %get3A_1938 = vector.load %arg2[%get3A_1935, %get3A_1936, %get3A_1937] : memref<8192x8x128xf32, #tpu.memory_space<vmem>>, vector<1x8x128xf32>
    %get3A_1939 = vector.shape_cast %get3A_1938 : vector<1x8x128xf32> to vector<8x128xf32>
    %mul3A_1940 = arith.constant 128 : i32
    %mul3A_1941 = arith.muli %arg0, %mul3A_1940 : i32
    %add3A_1942 = arith.constant 88 : i32
    %add3A_1943 = arith.addi %mul3A_1941, %add3A_1942 : i32
    %add3A_1944 = arith.constant 7 : i32
    %add3A_1945 = arith.addi %add3A_1943, %add3A_1944 : i32
    %get3A_1946 = arith.index_cast %add3A_1945 : i32 to index
    %get3A_1947 = memref.load %arg1[%get3A_1946] : memref<16384xi32, #tpu.memory_space<smem>>
    %max3A_1948 = arith.constant -4096 : i32
    %max3A_1949 = arith.maxsi %get3A_1947, %max3A_1948 : i32
    %min3A_1950 = arith.constant 4095 : i32
    %min3A_1951 = arith.minsi %max3A_1949, %min3A_1950 : i32
    %add3A_1952 = arith.constant 4096 : i32
    %add3A_1953 = arith.addi %min3A_1951, %add3A_1952 : i32
    %get3A_1954 = arith.index_cast %add3A_1953 : i32 to index
    %get3A_1955 = arith.constant 0 : index
    %get3A_1956 = arith.constant 0 : index
    %get3A_1957 = vector.load %arg2[%get3A_1954, %get3A_1955, %get3A_1956] : memref<8192x8x128xf32, #tpu.memory_space<vmem>>, vector<1x8x128xf32>
    %get3A_1958 = vector.shape_cast %get3A_1957 : vector<1x8x128xf32> to vector<8x128xf32>
    %stack3A_1959 = vector.shape_cast %get3A_1825 : vector<8x128xf32> to vector<1x8x128xf32>
    %stack3A_1960 = vector.shape_cast %get3A_1844 : vector<8x128xf32> to vector<1x8x128xf32>
    %stack3A_1961 = vector.shape_cast %get3A_1863 : vector<8x128xf32> to vector<1x8x128xf32>
    %stack3A_1962 = vector.shape_cast %get3A_1882 : vector<8x128xf32> to vector<1x8x128xf32>
    %stack3A_1963 = vector.shape_cast %get3A_1901 : vector<8x128xf32> to vector<1x8x128xf32>
    %stack3A_1964 = vector.shape_cast %get3A_1920 : vector<8x128xf32> to vector<1x8x128xf32>
    %stack3A_1965 = vector.shape_cast %get3A_1939 : vector<8x128xf32> to vector<1x8x128xf32>
    %stack3A_1966 = vector.shape_cast %get3A_1958 : vector<8x128xf32> to vector<1x8x128xf32>
    %stack3A_1967 = tpu.concatenate %stack3A_1959, %stack3A_1960, %stack3A_1961, %stack3A_1962, %stack3A_1963, %stack3A_1964, %stack3A_1965, %stack3A_1966 in 0 : vector<1x8x128xf32>, vector<1x8x128xf32>, vector<1x8x128xf32>, vector<1x8x128xf32>, vector<1x8x128xf32>, vector<1x8x128xf32>, vector<1x8x128xf32>, vector<1x8x128xf32> -> vector<8x8x128xf32>
    %reshape3A_1968 = vector.shape_cast %stack3A_1967 : vector<8x8x128xf32> to vector<8x1024xf32>
    %swap3A_1969 = arith.constant 88 : index
    %swap3A_1970 = arith.constant 0 : index
    %swap3A_1971 = vector.load %arg3[%swap3A_1969, %swap3A_1970] : memref<128x1024xf32, #tpu.memory_space<vmem>>, vector<8x1024xf32>
    tpu.vector_store %arg3[%swap3A_1969, %swap3A_1970], %reshape3A_1968 {strides = array<i32>} : memref<128x1024xf32, #tpu.memory_space<vmem>>, vector<8x1024xf32>,
    %mul3A_1972 = arith.constant 128 : i32
    %mul3A_1973 = arith.muli %arg0, %mul3A_1972 : i32
    %add3A_1974 = arith.constant 96 : i32
    %add3A_1975 = arith.addi %mul3A_1973, %add3A_1974 : i32
    %add3A_1976 = arith.constant 0 : i32
    %add3A_1977 = arith.addi %add3A_1975, %add3A_1976 : i32
    %get3A_1978 = arith.index_cast %add3A_1977 : i32 to index
    %get3A_1979 = memref.load %arg1[%get3A_1978] : memref<16384xi32, #tpu.memory_space<smem>>
    %max3A_1980 = arith.constant -4096 : i32
    %max3A_1981 = arith.maxsi %get3A_1979, %max3A_1980 : i32
    %min3A_1982 = arith.constant 4095 : i32
    %min3A_1983 = arith.minsi %max3A_1981, %min3A_1982 : i32
    %add3A_1984 = arith.constant 4096 : i32
    %add3A_1985 = arith.addi %min3A_1983, %add3A_1984 : i32
    %get3A_1986 = arith.index_cast %add3A_1985 : i32 to index
    %get3A_1987 = arith.constant 0 : index
    %get3A_1988 = arith.constant 0 : index
    %get3A_1989 = vector.load %arg2[%get3A_1986, %get3A_1987, %get3A_1988] : memref<8192x8x128xf32, #tpu.memory_space<vmem>>, vector<1x8x128xf32>
    %get3A_1990 = vector.shape_cast %get3A_1989 : vector<1x8x128xf32> to vector<8x128xf32>
    %mul3A_1991 = arith.constant 128 : i32
    %mul3A_1992 = arith.muli %arg0, %mul3A_1991 : i32
    %add3A_1993 = arith.constant 96 : i32
    %add3A_1994 = arith.addi %mul3A_1992, %add3A_1993 : i32
    %add3A_1995 = arith.constant 1 : i32
    %add3A_1996 = arith.addi %add3A_1994, %add3A_1995 : i32
    %get3A_1997 = arith.index_cast %add3A_1996 : i32 to index
    %get3A_1998 = memref.load %arg1[%get3A_1997] : memref<16384xi32, #tpu.memory_space<smem>>
    %max3A_1999 = arith.constant -4096 : i32
    %max3A_2000 = arith.maxsi %get3A_1998, %max3A_1999 : i32
    %min3A_2001 = arith.constant 4095 : i32
    %min3A_2002 = arith.minsi %max3A_2000, %min3A_2001 : i32
    %add3A_2003 = arith.constant 4096 : i32
    %add3A_2004 = arith.addi %min3A_2002, %add3A_2003 : i32
    %get3A_2005 = arith.index_cast %add3A_2004 : i32 to index
    %get3A_2006 = arith.constant 0 : index
    %get3A_2007 = arith.constant 0 : index
    %get3A_2008 = vector.load %arg2[%get3A_2005, %get3A_2006, %get3A_2007] : memref<8192x8x128xf32, #tpu.memory_space<vmem>>, vector<1x8x128xf32>
    %get3A_2009 = vector.shape_cast %get3A_2008 : vector<1x8x128xf32> to vector<8x128xf32>
    %mul3A_2010 = arith.constant 128 : i32
    %mul3A_2011 = arith.muli %arg0, %mul3A_2010 : i32
    %add3A_2012 = arith.constant 96 : i32
    %add3A_2013 = arith.addi %mul3A_2011, %add3A_2012 : i32
    %add3A_2014 = arith.constant 2 : i32
    %add3A_2015 = arith.addi %add3A_2013, %add3A_2014 : i32
    %get3A_2016 = arith.index_cast %add3A_2015 : i32 to index
    %get3A_2017 = memref.load %arg1[%get3A_2016] : memref<16384xi32, #tpu.memory_space<smem>>
    %max3A_2018 = arith.constant -4096 : i32
    %max3A_2019 = arith.maxsi %get3A_2017, %max3A_2018 : i32
    %min3A_2020 = arith.constant 4095 : i32
    %min3A_2021 = arith.minsi %max3A_2019, %min3A_2020 : i32
    %add3A_2022 = arith.constant 4096 : i32
    %add3A_2023 = arith.addi %min3A_2021, %add3A_2022 : i32
    %get3A_2024 = arith.index_cast %add3A_2023 : i32 to index
    %get3A_2025 = arith.constant 0 : index
    %get3A_2026 = arith.constant 0 : index
    %get3A_2027 = vector.load %arg2[%get3A_2024, %get3A_2025, %get3A_2026] : memref<8192x8x128xf32, #tpu.memory_space<vmem>>, vector<1x8x128xf32>
    %get3A_2028 = vector.shape_cast %get3A_2027 : vector<1x8x128xf32> to vector<8x128xf32>
    %mul3A_2029 = arith.constant 128 : i32
    %mul3A_2030 = arith.muli %arg0, %mul3A_2029 : i32
    %add3A_2031 = arith.constant 96 : i32
    %add3A_2032 = arith.addi %mul3A_2030, %add3A_2031 : i32
    %add3A_2033 = arith.constant 3 : i32
    %add3A_2034 = arith.addi %add3A_2032, %add3A_2033 : i32
    %get3A_2035 = arith.index_cast %add3A_2034 : i32 to index
    %get3A_2036 = memref.load %arg1[%get3A_2035] : memref<16384xi32, #tpu.memory_space<smem>>
    %max3A_2037 = arith.constant -4096 : i32
    %max3A_2038 = arith.maxsi %get3A_2036, %max3A_2037 : i32
    %min3A_2039 = arith.constant 4095 : i32
    %min3A_2040 = arith.minsi %max3A_2038, %min3A_2039 : i32
    %add3A_2041 = arith.constant 4096 : i32
    %add3A_2042 = arith.addi %min3A_2040, %add3A_2041 : i32
    %get3A_2043 = arith.index_cast %add3A_2042 : i32 to index
    %get3A_2044 = arith.constant 0 : index
    %get3A_2045 = arith.constant 0 : index
    %get3A_2046 = vector.load %arg2[%get3A_2043, %get3A_2044, %get3A_2045] : memref<8192x8x128xf32, #tpu.memory_space<vmem>>, vector<1x8x128xf32>
    %get3A_2047 = vector.shape_cast %get3A_2046 : vector<1x8x128xf32> to vector<8x128xf32>
    %mul3A_2048 = arith.constant 128 : i32
    %mul3A_2049 = arith.muli %arg0, %mul3A_2048 : i32
    %add3A_2050 = arith.constant 96 : i32
    %add3A_2051 = arith.addi %mul3A_2049, %add3A_2050 : i32
    %add3A_2052 = arith.constant 4 : i32
    %add3A_2053 = arith.addi %add3A_2051, %add3A_2052 : i32
    %get3A_2054 = arith.index_cast %add3A_2053 : i32 to index
    %get3A_2055 = memref.load %arg1[%get3A_2054] : memref<16384xi32, #tpu.memory_space<smem>>
    %max3A_2056 = arith.constant -4096 : i32
    %max3A_2057 = arith.maxsi %get3A_2055, %max3A_2056 : i32
    %min3A_2058 = arith.constant 4095 : i32
    %min3A_2059 = arith.minsi %max3A_2057, %min3A_2058 : i32
    %add3A_2060 = arith.constant 4096 : i32
    %add3A_2061 = arith.addi %min3A_2059, %add3A_2060 : i32
    %get3A_2062 = arith.index_cast %add3A_2061 : i32 to index
    %get3A_2063 = arith.constant 0 : index
    %get3A_2064 = arith.constant 0 : index
    %get3A_2065 = vector.load %arg2[%get3A_2062, %get3A_2063, %get3A_2064] : memref<8192x8x128xf32, #tpu.memory_space<vmem>>, vector<1x8x128xf32>
    %get3A_2066 = vector.shape_cast %get3A_2065 : vector<1x8x128xf32> to vector<8x128xf32>
    %mul3A_2067 = arith.constant 128 : i32
    %mul3A_2068 = arith.muli %arg0, %mul3A_2067 : i32
    %add3A_2069 = arith.constant 96 : i32
    %add3A_2070 = arith.addi %mul3A_2068, %add3A_2069 : i32
    %add3A_2071 = arith.constant 5 : i32
    %add3A_2072 = arith.addi %add3A_2070, %add3A_2071 : i32
    %get3A_2073 = arith.index_cast %add3A_2072 : i32 to index
    %get3A_2074 = memref.load %arg1[%get3A_2073] : memref<16384xi32, #tpu.memory_space<smem>>
    %max3A_2075 = arith.constant -4096 : i32
    %max3A_2076 = arith.maxsi %get3A_2074, %max3A_2075 : i32
    %min3A_2077 = arith.constant 4095 : i32
    %min3A_2078 = arith.minsi %max3A_2076, %min3A_2077 : i32
    %add3A_2079 = arith.constant 4096 : i32
    %add3A_2080 = arith.addi %min3A_2078, %add3A_2079 : i32
    %get3A_2081 = arith.index_cast %add3A_2080 : i32 to index
    %get3A_2082 = arith.constant 0 : index
    %get3A_2083 = arith.constant 0 : index
    %get3A_2084 = vector.load %arg2[%get3A_2081, %get3A_2082, %get3A_2083] : memref<8192x8x128xf32, #tpu.memory_space<vmem>>, vector<1x8x128xf32>
    %get3A_2085 = vector.shape_cast %get3A_2084 : vector<1x8x128xf32> to vector<8x128xf32>
    %mul3A_2086 = arith.constant 128 : i32
    %mul3A_2087 = arith.muli %arg0, %mul3A_2086 : i32
    %add3A_2088 = arith.constant 96 : i32
    %add3A_2089 = arith.addi %mul3A_2087, %add3A_2088 : i32
    %add3A_2090 = arith.constant 6 : i32
    %add3A_2091 = arith.addi %add3A_2089, %add3A_2090 : i32
    %get3A_2092 = arith.index_cast %add3A_2091 : i32 to index
    %get3A_2093 = memref.load %arg1[%get3A_2092] : memref<16384xi32, #tpu.memory_space<smem>>
    %max3A_2094 = arith.constant -4096 : i32
    %max3A_2095 = arith.maxsi %get3A_2093, %max3A_2094 : i32
    %min3A_2096 = arith.constant 4095 : i32
    %min3A_2097 = arith.minsi %max3A_2095, %min3A_2096 : i32
    %add3A_2098 = arith.constant 4096 : i32
    %add3A_2099 = arith.addi %min3A_2097, %add3A_2098 : i32
    %get3A_2100 = arith.index_cast %add3A_2099 : i32 to index
    %get3A_2101 = arith.constant 0 : index
    %get3A_2102 = arith.constant 0 : index
    %get3A_2103 = vector.load %arg2[%get3A_2100, %get3A_2101, %get3A_2102] : memref<8192x8x128xf32, #tpu.memory_space<vmem>>, vector<1x8x128xf32>
    %get3A_2104 = vector.shape_cast %get3A_2103 : vector<1x8x128xf32> to vector<8x128xf32>
    %mul3A_2105 = arith.constant 128 : i32
    %mul3A_2106 = arith.muli %arg0, %mul3A_2105 : i32
    %add3A_2107 = arith.constant 96 : i32
    %add3A_2108 = arith.addi %mul3A_2106, %add3A_2107 : i32
    %add3A_2109 = arith.constant 7 : i32
    %add3A_2110 = arith.addi %add3A_2108, %add3A_2109 : i32
    %get3A_2111 = arith.index_cast %add3A_2110 : i32 to index
    %get3A_2112 = memref.load %arg1[%get3A_2111] : memref<16384xi32, #tpu.memory_space<smem>>
    %max3A_2113 = arith.constant -4096 : i32
    %max3A_2114 = arith.maxsi %get3A_2112, %max3A_2113 : i32
    %min3A_2115 = arith.constant 4095 : i32
    %min3A_2116 = arith.minsi %max3A_2114, %min3A_2115 : i32
    %add3A_2117 = arith.constant 4096 : i32
    %add3A_2118 = arith.addi %min3A_2116, %add3A_2117 : i32
    %get3A_2119 = arith.index_cast %add3A_2118 : i32 to index
    %get3A_2120 = arith.constant 0 : index
    %get3A_2121 = arith.constant 0 : index
    %get3A_2122 = vector.load %arg2[%get3A_2119, %get3A_2120, %get3A_2121] : memref<8192x8x128xf32, #tpu.memory_space<vmem>>, vector<1x8x128xf32>
    %get3A_2123 = vector.shape_cast %get3A_2122 : vector<1x8x128xf32> to vector<8x128xf32>
    %stack3A_2124 = vector.shape_cast %get3A_1990 : vector<8x128xf32> to vector<1x8x128xf32>
    %stack3A_2125 = vector.shape_cast %get3A_2009 : vector<8x128xf32> to vector<1x8x128xf32>
    %stack3A_2126 = vector.shape_cast %get3A_2028 : vector<8x128xf32> to vector<1x8x128xf32>
    %stack3A_2127 = vector.shape_cast %get3A_2047 : vector<8x128xf32> to vector<1x8x128xf32>
    %stack3A_2128 = vector.shape_cast %get3A_2066 : vector<8x128xf32> to vector<1x8x128xf32>
    %stack3A_2129 = vector.shape_cast %get3A_2085 : vector<8x128xf32> to vector<1x8x128xf32>
    %stack3A_2130 = vector.shape_cast %get3A_2104 : vector<8x128xf32> to vector<1x8x128xf32>
    %stack3A_2131 = vector.shape_cast %get3A_2123 : vector<8x128xf32> to vector<1x8x128xf32>
    %stack3A_2132 = tpu.concatenate %stack3A_2124, %stack3A_2125, %stack3A_2126, %stack3A_2127, %stack3A_2128, %stack3A_2129, %stack3A_2130, %stack3A_2131 in 0 : vector<1x8x128xf32>, vector<1x8x128xf32>, vector<1x8x128xf32>, vector<1x8x128xf32>, vector<1x8x128xf32>, vector<1x8x128xf32>, vector<1x8x128xf32>, vector<1x8x128xf32> -> vector<8x8x128xf32>
    %reshape3A_2133 = vector.shape_cast %stack3A_2132 : vector<8x8x128xf32> to vector<8x1024xf32>
    %swap3A_2134 = arith.constant 96 : index
    %swap3A_2135 = arith.constant 0 : index
    %swap3A_2136 = vector.load %arg3[%swap3A_2134, %swap3A_2135] : memref<128x1024xf32, #tpu.memory_space<vmem>>, vector<8x1024xf32>
    tpu.vector_store %arg3[%swap3A_2134, %swap3A_2135], %reshape3A_2133 {strides = array<i32>} : memref<128x1024xf32, #tpu.memory_space<vmem>>, vector<8x1024xf32>,
    %mul3A_2137 = arith.constant 128 : i32
    %mul3A_2138 = arith.muli %arg0, %mul3A_2137 : i32
    %add3A_2139 = arith.constant 104 : i32
    %add3A_2140 = arith.addi %mul3A_2138, %add3A_2139 : i32
    %add3A_2141 = arith.constant 0 : i32
    %add3A_2142 = arith.addi %add3A_2140, %add3A_2141 : i32
    %get3A_2143 = arith.index_cast %add3A_2142 : i32 to index
    %get3A_2144 = memref.load %arg1[%get3A_2143] : memref<16384xi32, #tpu.memory_space<smem>>
    %max3A_2145 = arith.constant -4096 : i32
    %max3A_2146 = arith.maxsi %get3A_2144, %max3A_2145 : i32
    %min3A_2147 = arith.constant 4095 : i32
    %min3A_2148 = arith.minsi %max3A_2146, %min3A_2147 : i32
    %add3A_2149 = arith.constant 4096 : i32
    %add3A_2150 = arith.addi %min3A_2148, %add3A_2149 : i32
    %get3A_2151 = arith.index_cast %add3A_2150 : i32 to index
    %get3A_2152 = arith.constant 0 : index
    %get3A_2153 = arith.constant 0 : index
    %get3A_2154 = vector.load %arg2[%get3A_2151, %get3A_2152, %get3A_2153] : memref<8192x8x128xf32, #tpu.memory_space<vmem>>, vector<1x8x128xf32>
    %get3A_2155 = vector.shape_cast %get3A_2154 : vector<1x8x128xf32> to vector<8x128xf32>
    %mul3A_2156 = arith.constant 128 : i32
    %mul3A_2157 = arith.muli %arg0, %mul3A_2156 : i32
    %add3A_2158 = arith.constant 104 : i32
    %add3A_2159 = arith.addi %mul3A_2157, %add3A_2158 : i32
    %add3A_2160 = arith.constant 1 : i32
    %add3A_2161 = arith.addi %add3A_2159, %add3A_2160 : i32
    %get3A_2162 = arith.index_cast %add3A_2161 : i32 to index
    %get3A_2163 = memref.load %arg1[%get3A_2162] : memref<16384xi32, #tpu.memory_space<smem>>
    %max3A_2164 = arith.constant -4096 : i32
    %max3A_2165 = arith.maxsi %get3A_2163, %max3A_2164 : i32
    %min3A_2166 = arith.constant 4095 : i32
    %min3A_2167 = arith.minsi %max3A_2165, %min3A_2166 : i32
    %add3A_2168 = arith.constant 4096 : i32
    %add3A_2169 = arith.addi %min3A_2167, %add3A_2168 : i32
    %get3A_2170 = arith.index_cast %add3A_2169 : i32 to index
    %get3A_2171 = arith.constant 0 : index
    %get3A_2172 = arith.constant 0 : index
    %get3A_2173 = vector.load %arg2[%get3A_2170, %get3A_2171, %get3A_2172] : memref<8192x8x128xf32, #tpu.memory_space<vmem>>, vector<1x8x128xf32>
    %get3A_2174 = vector.shape_cast %get3A_2173 : vector<1x8x128xf32> to vector<8x128xf32>
    %mul3A_2175 = arith.constant 128 : i32
    %mul3A_2176 = arith.muli %arg0, %mul3A_2175 : i32
    %add3A_2177 = arith.constant 104 : i32
    %add3A_2178 = arith.addi %mul3A_2176, %add3A_2177 : i32
    %add3A_2179 = arith.constant 2 : i32
    %add3A_2180 = arith.addi %add3A_2178, %add3A_2179 : i32
    %get3A_2181 = arith.index_cast %add3A_2180 : i32 to index
    %get3A_2182 = memref.load %arg1[%get3A_2181] : memref<16384xi32, #tpu.memory_space<smem>>
    %max3A_2183 = arith.constant -4096 : i32
    %max3A_2184 = arith.maxsi %get3A_2182, %max3A_2183 : i32
    %min3A_2185 = arith.constant 4095 : i32
    %min3A_2186 = arith.minsi %max3A_2184, %min3A_2185 : i32
    %add3A_2187 = arith.constant 4096 : i32
    %add3A_2188 = arith.addi %min3A_2186, %add3A_2187 : i32
    %get3A_2189 = arith.index_cast %add3A_2188 : i32 to index
    %get3A_2190 = arith.constant 0 : index
    %get3A_2191 = arith.constant 0 : index
    %get3A_2192 = vector.load %arg2[%get3A_2189, %get3A_2190, %get3A_2191] : memref<8192x8x128xf32, #tpu.memory_space<vmem>>, vector<1x8x128xf32>
    %get3A_2193 = vector.shape_cast %get3A_2192 : vector<1x8x128xf32> to vector<8x128xf32>
    %mul3A_2194 = arith.constant 128 : i32
    %mul3A_2195 = arith.muli %arg0, %mul3A_2194 : i32
    %add3A_2196 = arith.constant 104 : i32
    %add3A_2197 = arith.addi %mul3A_2195, %add3A_2196 : i32
    %add3A_2198 = arith.constant 3 : i32
    %add3A_2199 = arith.addi %add3A_2197, %add3A_2198 : i32
    %get3A_2200 = arith.index_cast %add3A_2199 : i32 to index
    %get3A_2201 = memref.load %arg1[%get3A_2200] : memref<16384xi32, #tpu.memory_space<smem>>
    %max3A_2202 = arith.constant -4096 : i32
    %max3A_2203 = arith.maxsi %get3A_2201, %max3A_2202 : i32
    %min3A_2204 = arith.constant 4095 : i32
    %min3A_2205 = arith.minsi %max3A_2203, %min3A_2204 : i32
    %add3A_2206 = arith.constant 4096 : i32
    %add3A_2207 = arith.addi %min3A_2205, %add3A_2206 : i32
    %get3A_2208 = arith.index_cast %add3A_2207 : i32 to index
    %get3A_2209 = arith.constant 0 : index
    %get3A_2210 = arith.constant 0 : index
    %get3A_2211 = vector.load %arg2[%get3A_2208, %get3A_2209, %get3A_2210] : memref<8192x8x128xf32, #tpu.memory_space<vmem>>, vector<1x8x128xf32>
    %get3A_2212 = vector.shape_cast %get3A_2211 : vector<1x8x128xf32> to vector<8x128xf32>
    %mul3A_2213 = arith.constant 128 : i32
    %mul3A_2214 = arith.muli %arg0, %mul3A_2213 : i32
    %add3A_2215 = arith.constant 104 : i32
    %add3A_2216 = arith.addi %mul3A_2214, %add3A_2215 : i32
    %add3A_2217 = arith.constant 4 : i32
    %add3A_2218 = arith.addi %add3A_2216, %add3A_2217 : i32
    %get3A_2219 = arith.index_cast %add3A_2218 : i32 to index
    %get3A_2220 = memref.load %arg1[%get3A_2219] : memref<16384xi32, #tpu.memory_space<smem>>
    %max3A_2221 = arith.constant -4096 : i32
    %max3A_2222 = arith.maxsi %get3A_2220, %max3A_2221 : i32
    %min3A_2223 = arith.constant 4095 : i32
    %min3A_2224 = arith.minsi %max3A_2222, %min3A_2223 : i32
    %add3A_2225 = arith.constant 4096 : i32
    %add3A_2226 = arith.addi %min3A_2224, %add3A_2225 : i32
    %get3A_2227 = arith.index_cast %add3A_2226 : i32 to index
    %get3A_2228 = arith.constant 0 : index
    %get3A_2229 = arith.constant 0 : index
    %get3A_2230 = vector.load %arg2[%get3A_2227, %get3A_2228, %get3A_2229] : memref<8192x8x128xf32, #tpu.memory_space<vmem>>, vector<1x8x128xf32>
    %get3A_2231 = vector.shape_cast %get3A_2230 : vector<1x8x128xf32> to vector<8x128xf32>
    %mul3A_2232 = arith.constant 128 : i32
    %mul3A_2233 = arith.muli %arg0, %mul3A_2232 : i32
    %add3A_2234 = arith.constant 104 : i32
    %add3A_2235 = arith.addi %mul3A_2233, %add3A_2234 : i32
    %add3A_2236 = arith.constant 5 : i32
    %add3A_2237 = arith.addi %add3A_2235, %add3A_2236 : i32
    %get3A_2238 = arith.index_cast %add3A_2237 : i32 to index
    %get3A_2239 = memref.load %arg1[%get3A_2238] : memref<16384xi32, #tpu.memory_space<smem>>
    %max3A_2240 = arith.constant -4096 : i32
    %max3A_2241 = arith.maxsi %get3A_2239, %max3A_2240 : i32
    %min3A_2242 = arith.constant 4095 : i32
    %min3A_2243 = arith.minsi %max3A_2241, %min3A_2242 : i32
    %add3A_2244 = arith.constant 4096 : i32
    %add3A_2245 = arith.addi %min3A_2243, %add3A_2244 : i32
    %get3A_2246 = arith.index_cast %add3A_2245 : i32 to index
    %get3A_2247 = arith.constant 0 : index
    %get3A_2248 = arith.constant 0 : index
    %get3A_2249 = vector.load %arg2[%get3A_2246, %get3A_2247, %get3A_2248] : memref<8192x8x128xf32, #tpu.memory_space<vmem>>, vector<1x8x128xf32>
    %get3A_2250 = vector.shape_cast %get3A_2249 : vector<1x8x128xf32> to vector<8x128xf32>
    %mul3A_2251 = arith.constant 128 : i32
    %mul3A_2252 = arith.muli %arg0, %mul3A_2251 : i32
    %add3A_2253 = arith.constant 104 : i32
    %add3A_2254 = arith.addi %mul3A_2252, %add3A_2253 : i32
    %add3A_2255 = arith.constant 6 : i32
    %add3A_2256 = arith.addi %add3A_2254, %add3A_2255 : i32
    %get3A_2257 = arith.index_cast %add3A_2256 : i32 to index
    %get3A_2258 = memref.load %arg1[%get3A_2257] : memref<16384xi32, #tpu.memory_space<smem>>
    %max3A_2259 = arith.constant -4096 : i32
    %max3A_2260 = arith.maxsi %get3A_2258, %max3A_2259 : i32
    %min3A_2261 = arith.constant 4095 : i32
    %min3A_2262 = arith.minsi %max3A_2260, %min3A_2261 : i32
    %add3A_2263 = arith.constant 4096 : i32
    %add3A_2264 = arith.addi %min3A_2262, %add3A_2263 : i32
    %get3A_2265 = arith.index_cast %add3A_2264 : i32 to index
    %get3A_2266 = arith.constant 0 : index
    %get3A_2267 = arith.constant 0 : index
    %get3A_2268 = vector.load %arg2[%get3A_2265, %get3A_2266, %get3A_2267] : memref<8192x8x128xf32, #tpu.memory_space<vmem>>, vector<1x8x128xf32>
    %get3A_2269 = vector.shape_cast %get3A_2268 : vector<1x8x128xf32> to vector<8x128xf32>
    %mul3A_2270 = arith.constant 128 : i32
    %mul3A_2271 = arith.muli %arg0, %mul3A_2270 : i32
    %add3A_2272 = arith.constant 104 : i32
    %add3A_2273 = arith.addi %mul3A_2271, %add3A_2272 : i32
    %add3A_2274 = arith.constant 7 : i32
    %add3A_2275 = arith.addi %add3A_2273, %add3A_2274 : i32
    %get3A_2276 = arith.index_cast %add3A_2275 : i32 to index
    %get3A_2277 = memref.load %arg1[%get3A_2276] : memref<16384xi32, #tpu.memory_space<smem>>
    %max3A_2278 = arith.constant -4096 : i32
    %max3A_2279 = arith.maxsi %get3A_2277, %max3A_2278 : i32
    %min3A_2280 = arith.constant 4095 : i32
    %min3A_2281 = arith.minsi %max3A_2279, %min3A_2280 : i32
    %add3A_2282 = arith.constant 4096 : i32
    %add3A_2283 = arith.addi %min3A_2281, %add3A_2282 : i32
    %get3A_2284 = arith.index_cast %add3A_2283 : i32 to index
    %get3A_2285 = arith.constant 0 : index
    %get3A_2286 = arith.constant 0 : index
    %get3A_2287 = vector.load %arg2[%get3A_2284, %get3A_2285, %get3A_2286] : memref<8192x8x128xf32, #tpu.memory_space<vmem>>, vector<1x8x128xf32>
    %get3A_2288 = vector.shape_cast %get3A_2287 : vector<1x8x128xf32> to vector<8x128xf32>
    %stack3A_2289 = vector.shape_cast %get3A_2155 : vector<8x128xf32> to vector<1x8x128xf32>
    %stack3A_2290 = vector.shape_cast %get3A_2174 : vector<8x128xf32> to vector<1x8x128xf32>
    %stack3A_2291 = vector.shape_cast %get3A_2193 : vector<8x128xf32> to vector<1x8x128xf32>
    %stack3A_2292 = vector.shape_cast %get3A_2212 : vector<8x128xf32> to vector<1x8x128xf32>
    %stack3A_2293 = vector.shape_cast %get3A_2231 : vector<8x128xf32> to vector<1x8x128xf32>
    %stack3A_2294 = vector.shape_cast %get3A_2250 : vector<8x128xf32> to vector<1x8x128xf32>
    %stack3A_2295 = vector.shape_cast %get3A_2269 : vector<8x128xf32> to vector<1x8x128xf32>
    %stack3A_2296 = vector.shape_cast %get3A_2288 : vector<8x128xf32> to vector<1x8x128xf32>
    %stack3A_2297 = tpu.concatenate %stack3A_2289, %stack3A_2290, %stack3A_2291, %stack3A_2292, %stack3A_2293, %stack3A_2294, %stack3A_2295, %stack3A_2296 in 0 : vector<1x8x128xf32>, vector<1x8x128xf32>, vector<1x8x128xf32>, vector<1x8x128xf32>, vector<1x8x128xf32>, vector<1x8x128xf32>, vector<1x8x128xf32>, vector<1x8x128xf32> -> vector<8x8x128xf32>
    %reshape3A_2298 = vector.shape_cast %stack3A_2297 : vector<8x8x128xf32> to vector<8x1024xf32>
    %swap3A_2299 = arith.constant 104 : index
    %swap3A_2300 = arith.constant 0 : index
    %swap3A_2301 = vector.load %arg3[%swap3A_2299, %swap3A_2300] : memref<128x1024xf32, #tpu.memory_space<vmem>>, vector<8x1024xf32>
    tpu.vector_store %arg3[%swap3A_2299, %swap3A_2300], %reshape3A_2298 {strides = array<i32>} : memref<128x1024xf32, #tpu.memory_space<vmem>>, vector<8x1024xf32>,
    %mul3A_2302 = arith.constant 128 : i32
    %mul3A_2303 = arith.muli %arg0, %mul3A_2302 : i32
    %add3A_2304 = arith.constant 112 : i32
    %add3A_2305 = arith.addi %mul3A_2303, %add3A_2304 : i32
    %add3A_2306 = arith.constant 0 : i32
    %add3A_2307 = arith.addi %add3A_2305, %add3A_2306 : i32
    %get3A_2308 = arith.index_cast %add3A_2307 : i32 to index
    %get3A_2309 = memref.load %arg1[%get3A_2308] : memref<16384xi32, #tpu.memory_space<smem>>
    %max3A_2310 = arith.constant -4096 : i32
    %max3A_2311 = arith.maxsi %get3A_2309, %max3A_2310 : i32
    %min3A_2312 = arith.constant 4095 : i32
    %min3A_2313 = arith.minsi %max3A_2311, %min3A_2312 : i32
    %add3A_2314 = arith.constant 4096 : i32
    %add3A_2315 = arith.addi %min3A_2313, %add3A_2314 : i32
    %get3A_2316 = arith.index_cast %add3A_2315 : i32 to index
    %get3A_2317 = arith.constant 0 : index
    %get3A_2318 = arith.constant 0 : index
    %get3A_2319 = vector.load %arg2[%get3A_2316, %get3A_2317, %get3A_2318] : memref<8192x8x128xf32, #tpu.memory_space<vmem>>, vector<1x8x128xf32>
    %get3A_2320 = vector.shape_cast %get3A_2319 : vector<1x8x128xf32> to vector<8x128xf32>
    %mul3A_2321 = arith.constant 128 : i32
    %mul3A_2322 = arith.muli %arg0, %mul3A_2321 : i32
    %add3A_2323 = arith.constant 112 : i32
    %add3A_2324 = arith.addi %mul3A_2322, %add3A_2323 : i32
    %add3A_2325 = arith.constant 1 : i32
    %add3A_2326 = arith.addi %add3A_2324, %add3A_2325 : i32
    %get3A_2327 = arith.index_cast %add3A_2326 : i32 to index
    %get3A_2328 = memref.load %arg1[%get3A_2327] : memref<16384xi32, #tpu.memory_space<smem>>
    %max3A_2329 = arith.constant -4096 : i32
    %max3A_2330 = arith.maxsi %get3A_2328, %max3A_2329 : i32
    %min3A_2331 = arith.constant 4095 : i32
    %min3A_2332 = arith.minsi %max3A_2330, %min3A_2331 : i32
    %add3A_2333 = arith.constant 4096 : i32
    %add3A_2334 = arith.addi %min3A_2332, %add3A_2333 : i32
    %get3A_2335 = arith.index_cast %add3A_2334 : i32 to index
    %get3A_2336 = arith.constant 0 : index
    %get3A_2337 = arith.constant 0 : index
    %get3A_2338 = vector.load %arg2[%get3A_2335, %get3A_2336, %get3A_2337] : memref<8192x8x128xf32, #tpu.memory_space<vmem>>, vector<1x8x128xf32>
    %get3A_2339 = vector.shape_cast %get3A_2338 : vector<1x8x128xf32> to vector<8x128xf32>
    %mul3A_2340 = arith.constant 128 : i32
    %mul3A_2341 = arith.muli %arg0, %mul3A_2340 : i32
    %add3A_2342 = arith.constant 112 : i32
    %add3A_2343 = arith.addi %mul3A_2341, %add3A_2342 : i32
    %add3A_2344 = arith.constant 2 : i32
    %add3A_2345 = arith.addi %add3A_2343, %add3A_2344 : i32
    %get3A_2346 = arith.index_cast %add3A_2345 : i32 to index
    %get3A_2347 = memref.load %arg1[%get3A_2346] : memref<16384xi32, #tpu.memory_space<smem>>
    %max3A_2348 = arith.constant -4096 : i32
    %max3A_2349 = arith.maxsi %get3A_2347, %max3A_2348 : i32
    %min3A_2350 = arith.constant 4095 : i32
    %min3A_2351 = arith.minsi %max3A_2349, %min3A_2350 : i32
    %add3A_2352 = arith.constant 4096 : i32
    %add3A_2353 = arith.addi %min3A_2351, %add3A_2352 : i32
    %get3A_2354 = arith.index_cast %add3A_2353 : i32 to index
    %get3A_2355 = arith.constant 0 : index
    %get3A_2356 = arith.constant 0 : index
    %get3A_2357 = vector.load %arg2[%get3A_2354, %get3A_2355, %get3A_2356] : memref<8192x8x128xf32, #tpu.memory_space<vmem>>, vector<1x8x128xf32>
    %get3A_2358 = vector.shape_cast %get3A_2357 : vector<1x8x128xf32> to vector<8x128xf32>
    %mul3A_2359 = arith.constant 128 : i32
    %mul3A_2360 = arith.muli %arg0, %mul3A_2359 : i32
    %add3A_2361 = arith.constant 112 : i32
    %add3A_2362 = arith.addi %mul3A_2360, %add3A_2361 : i32
    %add3A_2363 = arith.constant 3 : i32
    %add3A_2364 = arith.addi %add3A_2362, %add3A_2363 : i32
    %get3A_2365 = arith.index_cast %add3A_2364 : i32 to index
    %get3A_2366 = memref.load %arg1[%get3A_2365] : memref<16384xi32, #tpu.memory_space<smem>>
    %max3A_2367 = arith.constant -4096 : i32
    %max3A_2368 = arith.maxsi %get3A_2366, %max3A_2367 : i32
    %min3A_2369 = arith.constant 4095 : i32
    %min3A_2370 = arith.minsi %max3A_2368, %min3A_2369 : i32
    %add3A_2371 = arith.constant 4096 : i32
    %add3A_2372 = arith.addi %min3A_2370, %add3A_2371 : i32
    %get3A_2373 = arith.index_cast %add3A_2372 : i32 to index
    %get3A_2374 = arith.constant 0 : index
    %get3A_2375 = arith.constant 0 : index
    %get3A_2376 = vector.load %arg2[%get3A_2373, %get3A_2374, %get3A_2375] : memref<8192x8x128xf32, #tpu.memory_space<vmem>>, vector<1x8x128xf32>
    %get3A_2377 = vector.shape_cast %get3A_2376 : vector<1x8x128xf32> to vector<8x128xf32>
    %mul3A_2378 = arith.constant 128 : i32
    %mul3A_2379 = arith.muli %arg0, %mul3A_2378 : i32
    %add3A_2380 = arith.constant 112 : i32
    %add3A_2381 = arith.addi %mul3A_2379, %add3A_2380 : i32
    %add3A_2382 = arith.constant 4 : i32
    %add3A_2383 = arith.addi %add3A_2381, %add3A_2382 : i32
    %get3A_2384 = arith.index_cast %add3A_2383 : i32 to index
    %get3A_2385 = memref.load %arg1[%get3A_2384] : memref<16384xi32, #tpu.memory_space<smem>>
    %max3A_2386 = arith.constant -4096 : i32
    %max3A_2387 = arith.maxsi %get3A_2385, %max3A_2386 : i32
    %min3A_2388 = arith.constant 4095 : i32
    %min3A_2389 = arith.minsi %max3A_2387, %min3A_2388 : i32
    %add3A_2390 = arith.constant 4096 : i32
    %add3A_2391 = arith.addi %min3A_2389, %add3A_2390 : i32
    %get3A_2392 = arith.index_cast %add3A_2391 : i32 to index
    %get3A_2393 = arith.constant 0 : index
    %get3A_2394 = arith.constant 0 : index
    %get3A_2395 = vector.load %arg2[%get3A_2392, %get3A_2393, %get3A_2394] : memref<8192x8x128xf32, #tpu.memory_space<vmem>>, vector<1x8x128xf32>
    %get3A_2396 = vector.shape_cast %get3A_2395 : vector<1x8x128xf32> to vector<8x128xf32>
    %mul3A_2397 = arith.constant 128 : i32
    %mul3A_2398 = arith.muli %arg0, %mul3A_2397 : i32
    %add3A_2399 = arith.constant 112 : i32
    %add3A_2400 = arith.addi %mul3A_2398, %add3A_2399 : i32
    %add3A_2401 = arith.constant 5 : i32
    %add3A_2402 = arith.addi %add3A_2400, %add3A_2401 : i32
    %get3A_2403 = arith.index_cast %add3A_2402 : i32 to index
    %get3A_2404 = memref.load %arg1[%get3A_2403] : memref<16384xi32, #tpu.memory_space<smem>>
    %max3A_2405 = arith.constant -4096 : i32
    %max3A_2406 = arith.maxsi %get3A_2404, %max3A_2405 : i32
    %min3A_2407 = arith.constant 4095 : i32
    %min3A_2408 = arith.minsi %max3A_2406, %min3A_2407 : i32
    %add3A_2409 = arith.constant 4096 : i32
    %add3A_2410 = arith.addi %min3A_2408, %add3A_2409 : i32
    %get3A_2411 = arith.index_cast %add3A_2410 : i32 to index
    %get3A_2412 = arith.constant 0 : index
    %get3A_2413 = arith.constant 0 : index
    %get3A_2414 = vector.load %arg2[%get3A_2411, %get3A_2412, %get3A_2413] : memref<8192x8x128xf32, #tpu.memory_space<vmem>>, vector<1x8x128xf32>
    %get3A_2415 = vector.shape_cast %get3A_2414 : vector<1x8x128xf32> to vector<8x128xf32>
    %mul3A_2416 = arith.constant 128 : i32
    %mul3A_2417 = arith.muli %arg0, %mul3A_2416 : i32
    %add3A_2418 = arith.constant 112 : i32
    %add3A_2419 = arith.addi %mul3A_2417, %add3A_2418 : i32
    %add3A_2420 = arith.constant 6 : i32
    %add3A_2421 = arith.addi %add3A_2419, %add3A_2420 : i32
    %get3A_2422 = arith.index_cast %add3A_2421 : i32 to index
    %get3A_2423 = memref.load %arg1[%get3A_2422] : memref<16384xi32, #tpu.memory_space<smem>>
    %max3A_2424 = arith.constant -4096 : i32
    %max3A_2425 = arith.maxsi %get3A_2423, %max3A_2424 : i32
    %min3A_2426 = arith.constant 4095 : i32
    %min3A_2427 = arith.minsi %max3A_2425, %min3A_2426 : i32
    %add3A_2428 = arith.constant 4096 : i32
    %add3A_2429 = arith.addi %min3A_2427, %add3A_2428 : i32
    %get3A_2430 = arith.index_cast %add3A_2429 : i32 to index
    %get3A_2431 = arith.constant 0 : index
    %get3A_2432 = arith.constant 0 : index
    %get3A_2433 = vector.load %arg2[%get3A_2430, %get3A_2431, %get3A_2432] : memref<8192x8x128xf32, #tpu.memory_space<vmem>>, vector<1x8x128xf32>
    %get3A_2434 = vector.shape_cast %get3A_2433 : vector<1x8x128xf32> to vector<8x128xf32>
    %mul3A_2435 = arith.constant 128 : i32
    %mul3A_2436 = arith.muli %arg0, %mul3A_2435 : i32
    %add3A_2437 = arith.constant 112 : i32
    %add3A_2438 = arith.addi %mul3A_2436, %add3A_2437 : i32
    %add3A_2439 = arith.constant 7 : i32
    %add3A_2440 = arith.addi %add3A_2438, %add3A_2439 : i32
    %get3A_2441 = arith.index_cast %add3A_2440 : i32 to index
    %get3A_2442 = memref.load %arg1[%get3A_2441] : memref<16384xi32, #tpu.memory_space<smem>>
    %max3A_2443 = arith.constant -4096 : i32
    %max3A_2444 = arith.maxsi %get3A_2442, %max3A_2443 : i32
    %min3A_2445 = arith.constant 4095 : i32
    %min3A_2446 = arith.minsi %max3A_2444, %min3A_2445 : i32
    %add3A_2447 = arith.constant 4096 : i32
    %add3A_2448 = arith.addi %min3A_2446, %add3A_2447 : i32
    %get3A_2449 = arith.index_cast %add3A_2448 : i32 to index
    %get3A_2450 = arith.constant 0 : index
    %get3A_2451 = arith.constant 0 : index
    %get3A_2452 = vector.load %arg2[%get3A_2449, %get3A_2450, %get3A_2451] : memref<8192x8x128xf32, #tpu.memory_space<vmem>>, vector<1x8x128xf32>
    %get3A_2453 = vector.shape_cast %get3A_2452 : vector<1x8x128xf32> to vector<8x128xf32>
    %stack3A_2454 = vector.shape_cast %get3A_2320 : vector<8x128xf32> to vector<1x8x128xf32>
    %stack3A_2455 = vector.shape_cast %get3A_2339 : vector<8x128xf32> to vector<1x8x128xf32>
    %stack3A_2456 = vector.shape_cast %get3A_2358 : vector<8x128xf32> to vector<1x8x128xf32>
    %stack3A_2457 = vector.shape_cast %get3A_2377 : vector<8x128xf32> to vector<1x8x128xf32>
    %stack3A_2458 = vector.shape_cast %get3A_2396 : vector<8x128xf32> to vector<1x8x128xf32>
    %stack3A_2459 = vector.shape_cast %get3A_2415 : vector<8x128xf32> to vector<1x8x128xf32>
    %stack3A_2460 = vector.shape_cast %get3A_2434 : vector<8x128xf32> to vector<1x8x128xf32>
    %stack3A_2461 = vector.shape_cast %get3A_2453 : vector<8x128xf32> to vector<1x8x128xf32>
    %stack3A_2462 = tpu.concatenate %stack3A_2454, %stack3A_2455, %stack3A_2456, %stack3A_2457, %stack3A_2458, %stack3A_2459, %stack3A_2460, %stack3A_2461 in 0 : vector<1x8x128xf32>, vector<1x8x128xf32>, vector<1x8x128xf32>, vector<1x8x128xf32>, vector<1x8x128xf32>, vector<1x8x128xf32>, vector<1x8x128xf32>, vector<1x8x128xf32> -> vector<8x8x128xf32>
    %reshape3A_2463 = vector.shape_cast %stack3A_2462 : vector<8x8x128xf32> to vector<8x1024xf32>
    %swap3A_2464 = arith.constant 112 : index
    %swap3A_2465 = arith.constant 0 : index
    %swap3A_2466 = vector.load %arg3[%swap3A_2464, %swap3A_2465] : memref<128x1024xf32, #tpu.memory_space<vmem>>, vector<8x1024xf32>
    tpu.vector_store %arg3[%swap3A_2464, %swap3A_2465], %reshape3A_2463 {strides = array<i32>} : memref<128x1024xf32, #tpu.memory_space<vmem>>, vector<8x1024xf32>,
    %mul3A_2467 = arith.constant 128 : i32
    %mul3A_2468 = arith.muli %arg0, %mul3A_2467 : i32
    %add3A_2469 = arith.constant 120 : i32
    %add3A_2470 = arith.addi %mul3A_2468, %add3A_2469 : i32
    %add3A_2471 = arith.constant 0 : i32
    %add3A_2472 = arith.addi %add3A_2470, %add3A_2471 : i32
    %get3A_2473 = arith.index_cast %add3A_2472 : i32 to index
    %get3A_2474 = memref.load %arg1[%get3A_2473] : memref<16384xi32, #tpu.memory_space<smem>>
    %max3A_2475 = arith.constant -4096 : i32
    %max3A_2476 = arith.maxsi %get3A_2474, %max3A_2475 : i32
    %min3A_2477 = arith.constant 4095 : i32
    %min3A_2478 = arith.minsi %max3A_2476, %min3A_2477 : i32
    %add3A_2479 = arith.constant 4096 : i32
    %add3A_2480 = arith.addi %min3A_2478, %add3A_2479 : i32
    %get3A_2481 = arith.index_cast %add3A_2480 : i32 to index
    %get3A_2482 = arith.constant 0 : index
    %get3A_2483 = arith.constant 0 : index
    %get3A_2484 = vector.load %arg2[%get3A_2481, %get3A_2482, %get3A_2483] : memref<8192x8x128xf32, #tpu.memory_space<vmem>>, vector<1x8x128xf32>
    %get3A_2485 = vector.shape_cast %get3A_2484 : vector<1x8x128xf32> to vector<8x128xf32>
    %mul3A_2486 = arith.constant 128 : i32
    %mul3A_2487 = arith.muli %arg0, %mul3A_2486 : i32
    %add3A_2488 = arith.constant 120 : i32
    %add3A_2489 = arith.addi %mul3A_2487, %add3A_2488 : i32
    %add3A_2490 = arith.constant 1 : i32
    %add3A_2491 = arith.addi %add3A_2489, %add3A_2490 : i32
    %get3A_2492 = arith.index_cast %add3A_2491 : i32 to index
    %get3A_2493 = memref.load %arg1[%get3A_2492] : memref<16384xi32, #tpu.memory_space<smem>>
    %max3A_2494 = arith.constant -4096 : i32
    %max3A_2495 = arith.maxsi %get3A_2493, %max3A_2494 : i32
    %min3A_2496 = arith.constant 4095 : i32
    %min3A_2497 = arith.minsi %max3A_2495, %min3A_2496 : i32
    %add3A_2498 = arith.constant 4096 : i32
    %add3A_2499 = arith.addi %min3A_2497, %add3A_2498 : i32
    %get3A_2500 = arith.index_cast %add3A_2499 : i32 to index
    %get3A_2501 = arith.constant 0 : index
    %get3A_2502 = arith.constant 0 : index
    %get3A_2503 = vector.load %arg2[%get3A_2500, %get3A_2501, %get3A_2502] : memref<8192x8x128xf32, #tpu.memory_space<vmem>>, vector<1x8x128xf32>
    %get3A_2504 = vector.shape_cast %get3A_2503 : vector<1x8x128xf32> to vector<8x128xf32>
    %mul3A_2505 = arith.constant 128 : i32
    %mul3A_2506 = arith.muli %arg0, %mul3A_2505 : i32
    %add3A_2507 = arith.constant 120 : i32
    %add3A_2508 = arith.addi %mul3A_2506, %add3A_2507 : i32
    %add3A_2509 = arith.constant 2 : i32
    %add3A_2510 = arith.addi %add3A_2508, %add3A_2509 : i32
    %get3A_2511 = arith.index_cast %add3A_2510 : i32 to index
    %get3A_2512 = memref.load %arg1[%get3A_2511] : memref<16384xi32, #tpu.memory_space<smem>>
    %max3A_2513 = arith.constant -4096 : i32
    %max3A_2514 = arith.maxsi %get3A_2512, %max3A_2513 : i32
    %min3A_2515 = arith.constant 4095 : i32
    %min3A_2516 = arith.minsi %max3A_2514, %min3A_2515 : i32
    %add3A_2517 = arith.constant 4096 : i32
    %add3A_2518 = arith.addi %min3A_2516, %add3A_2517 : i32
    %get3A_2519 = arith.index_cast %add3A_2518 : i32 to index
    %get3A_2520 = arith.constant 0 : index
    %get3A_2521 = arith.constant 0 : index
    %get3A_2522 = vector.load %arg2[%get3A_2519, %get3A_2520, %get3A_2521] : memref<8192x8x128xf32, #tpu.memory_space<vmem>>, vector<1x8x128xf32>
    %get3A_2523 = vector.shape_cast %get3A_2522 : vector<1x8x128xf32> to vector<8x128xf32>
    %mul3A_2524 = arith.constant 128 : i32
    %mul3A_2525 = arith.muli %arg0, %mul3A_2524 : i32
    %add3A_2526 = arith.constant 120 : i32
    %add3A_2527 = arith.addi %mul3A_2525, %add3A_2526 : i32
    %add3A_2528 = arith.constant 3 : i32
    %add3A_2529 = arith.addi %add3A_2527, %add3A_2528 : i32
    %get3A_2530 = arith.index_cast %add3A_2529 : i32 to index
    %get3A_2531 = memref.load %arg1[%get3A_2530] : memref<16384xi32, #tpu.memory_space<smem>>
    %max3A_2532 = arith.constant -4096 : i32
    %max3A_2533 = arith.maxsi %get3A_2531, %max3A_2532 : i32
    %min3A_2534 = arith.constant 4095 : i32
    %min3A_2535 = arith.minsi %max3A_2533, %min3A_2534 : i32
    %add3A_2536 = arith.constant 4096 : i32
    %add3A_2537 = arith.addi %min3A_2535, %add3A_2536 : i32
    %get3A_2538 = arith.index_cast %add3A_2537 : i32 to index
    %get3A_2539 = arith.constant 0 : index
    %get3A_2540 = arith.constant 0 : index
    %get3A_2541 = vector.load %arg2[%get3A_2538, %get3A_2539, %get3A_2540] : memref<8192x8x128xf32, #tpu.memory_space<vmem>>, vector<1x8x128xf32>
    %get3A_2542 = vector.shape_cast %get3A_2541 : vector<1x8x128xf32> to vector<8x128xf32>
    %mul3A_2543 = arith.constant 128 : i32
    %mul3A_2544 = arith.muli %arg0, %mul3A_2543 : i32
    %add3A_2545 = arith.constant 120 : i32
    %add3A_2546 = arith.addi %mul3A_2544, %add3A_2545 : i32
    %add3A_2547 = arith.constant 4 : i32
    %add3A_2548 = arith.addi %add3A_2546, %add3A_2547 : i32
    %get3A_2549 = arith.index_cast %add3A_2548 : i32 to index
    %get3A_2550 = memref.load %arg1[%get3A_2549] : memref<16384xi32, #tpu.memory_space<smem>>
    %max3A_2551 = arith.constant -4096 : i32
    %max3A_2552 = arith.maxsi %get3A_2550, %max3A_2551 : i32
    %min3A_2553 = arith.constant 4095 : i32
    %min3A_2554 = arith.minsi %max3A_2552, %min3A_2553 : i32
    %add3A_2555 = arith.constant 4096 : i32
    %add3A_2556 = arith.addi %min3A_2554, %add3A_2555 : i32
    %get3A_2557 = arith.index_cast %add3A_2556 : i32 to index
    %get3A_2558 = arith.constant 0 : index
    %get3A_2559 = arith.constant 0 : index
    %get3A_2560 = vector.load %arg2[%get3A_2557, %get3A_2558, %get3A_2559] : memref<8192x8x128xf32, #tpu.memory_space<vmem>>, vector<1x8x128xf32>
    %get3A_2561 = vector.shape_cast %get3A_2560 : vector<1x8x128xf32> to vector<8x128xf32>
    %mul3A_2562 = arith.constant 128 : i32
    %mul3A_2563 = arith.muli %arg0, %mul3A_2562 : i32
    %add3A_2564 = arith.constant 120 : i32
    %add3A_2565 = arith.addi %mul3A_2563, %add3A_2564 : i32
    %add3A_2566 = arith.constant 5 : i32
    %add3A_2567 = arith.addi %add3A_2565, %add3A_2566 : i32
    %get3A_2568 = arith.index_cast %add3A_2567 : i32 to index
    %get3A_2569 = memref.load %arg1[%get3A_2568] : memref<16384xi32, #tpu.memory_space<smem>>
    %max3A_2570 = arith.constant -4096 : i32
    %max3A_2571 = arith.maxsi %get3A_2569, %max3A_2570 : i32
    %min3A_2572 = arith.constant 4095 : i32
    %min3A_2573 = arith.minsi %max3A_2571, %min3A_2572 : i32
    %add3A_2574 = arith.constant 4096 : i32
    %add3A_2575 = arith.addi %min3A_2573, %add3A_2574 : i32
    %get3A_2576 = arith.index_cast %add3A_2575 : i32 to index
    %get3A_2577 = arith.constant 0 : index
    %get3A_2578 = arith.constant 0 : index
    %get3A_2579 = vector.load %arg2[%get3A_2576, %get3A_2577, %get3A_2578] : memref<8192x8x128xf32, #tpu.memory_space<vmem>>, vector<1x8x128xf32>
    %get3A_2580 = vector.shape_cast %get3A_2579 : vector<1x8x128xf32> to vector<8x128xf32>
    %mul3A_2581 = arith.constant 128 : i32
    %mul3A_2582 = arith.muli %arg0, %mul3A_2581 : i32
    %add3A_2583 = arith.constant 120 : i32
    %add3A_2584 = arith.addi %mul3A_2582, %add3A_2583 : i32
    %add3A_2585 = arith.constant 6 : i32
    %add3A_2586 = arith.addi %add3A_2584, %add3A_2585 : i32
    %get3A_2587 = arith.index_cast %add3A_2586 : i32 to index
    %get3A_2588 = memref.load %arg1[%get3A_2587] : memref<16384xi32, #tpu.memory_space<smem>>
    %max3A_2589 = arith.constant -4096 : i32
    %max3A_2590 = arith.maxsi %get3A_2588, %max3A_2589 : i32
    %min3A_2591 = arith.constant 4095 : i32
    %min3A_2592 = arith.minsi %max3A_2590, %min3A_2591 : i32
    %add3A_2593 = arith.constant 4096 : i32
    %add3A_2594 = arith.addi %min3A_2592, %add3A_2593 : i32
    %get3A_2595 = arith.index_cast %add3A_2594 : i32 to index
    %get3A_2596 = arith.constant 0 : index
    %get3A_2597 = arith.constant 0 : index
    %get3A_2598 = vector.load %arg2[%get3A_2595, %get3A_2596, %get3A_2597] : memref<8192x8x128xf32, #tpu.memory_space<vmem>>, vector<1x8x128xf32>
    %get3A_2599 = vector.shape_cast %get3A_2598 : vector<1x8x128xf32> to vector<8x128xf32>
    %mul3A_2600 = arith.constant 128 : i32
    %mul3A_2601 = arith.muli %arg0, %mul3A_2600 : i32
    %add3A_2602 = arith.constant 120 : i32
    %add3A_2603 = arith.addi %mul3A_2601, %add3A_2602 : i32
    %add3A_2604 = arith.constant 7 : i32
    %add3A_2605 = arith.addi %add3A_2603, %add3A_2604 : i32
    %get3A_2606 = arith.index_cast %add3A_2605 : i32 to index
    %get3A_2607 = memref.load %arg1[%get3A_2606] : memref<16384xi32, #tpu.memory_space<smem>>
    %max3A_2608 = arith.constant -4096 : i32
    %max3A_2609 = arith.maxsi %get3A_2607, %max3A_2608 : i32
    %min3A_2610 = arith.constant 4095 : i32
    %min3A_2611 = arith.minsi %max3A_2609, %min3A_2610 : i32
    %add3A_2612 = arith.constant 4096 : i32
    %add3A_2613 = arith.addi %min3A_2611, %add3A_2612 : i32
    %get3A_2614 = arith.index_cast %add3A_2613 : i32 to index
    %get3A_2615 = arith.constant 0 : index
    %get3A_2616 = arith.constant 0 : index
    %get3A_2617 = vector.load %arg2[%get3A_2614, %get3A_2615, %get3A_2616] : memref<8192x8x128xf32, #tpu.memory_space<vmem>>, vector<1x8x128xf32>
    %get3A_2618 = vector.shape_cast %get3A_2617 : vector<1x8x128xf32> to vector<8x128xf32>
    %stack3A_2619 = vector.shape_cast %get3A_2485 : vector<8x128xf32> to vector<1x8x128xf32>
    %stack3A_2620 = vector.shape_cast %get3A_2504 : vector<8x128xf32> to vector<1x8x128xf32>
    %stack3A_2621 = vector.shape_cast %get3A_2523 : vector<8x128xf32> to vector<1x8x128xf32>
    %stack3A_2622 = vector.shape_cast %get3A_2542 : vector<8x128xf32> to vector<1x8x128xf32>
    %stack3A_2623 = vector.shape_cast %get3A_2561 : vector<8x128xf32> to vector<1x8x128xf32>
    %stack3A_2624 = vector.shape_cast %get3A_2580 : vector<8x128xf32> to vector<1x8x128xf32>
    %stack3A_2625 = vector.shape_cast %get3A_2599 : vector<8x128xf32> to vector<1x8x128xf32>
    %stack3A_2626 = vector.shape_cast %get3A_2618 : vector<8x128xf32> to vector<1x8x128xf32>
    %stack3A_2627 = tpu.concatenate %stack3A_2619, %stack3A_2620, %stack3A_2621, %stack3A_2622, %stack3A_2623, %stack3A_2624, %stack3A_2625, %stack3A_2626 in 0 : vector<1x8x128xf32>, vector<1x8x128xf32>, vector<1x8x128xf32>, vector<1x8x128xf32>, vector<1x8x128xf32>, vector<1x8x128xf32>, vector<1x8x128xf32>, vector<1x8x128xf32> -> vector<8x8x128xf32>
    %reshape3A_2628 = vector.shape_cast %stack3A_2627 : vector<8x8x128xf32> to vector<8x1024xf32>
    %swap3A_2629 = arith.constant 120 : index
    %swap3A_2630 = arith.constant 0 : index
    %swap3A_2631 = vector.load %arg3[%swap3A_2629, %swap3A_2630] : memref<128x1024xf32, #tpu.memory_space<vmem>>, vector<8x1024xf32>
    tpu.vector_store %arg3[%swap3A_2629, %swap3A_2630], %reshape3A_2628 {strides = array<i32>} : memref<128x1024xf32, #tpu.memory_space<vmem>>, vector<8x1024xf32>,
    return
  }
  func.func @transform_0(%arg0: i32, %arg1: memref<16384xi32, #tpu.memory_space<smem>>) -> (i32, i32, i32) {
    %c0_i32 = arith.constant 0 : i32
    %c0_i32_0 = arith.constant 0 : i32
    %c0_i32_1 = arith.constant 0 : i32
    %c0_i32_2 = arith.constant 0 : i32
    return %c0_i32, %c0_i32_0, %c0_i32_1 : i32, i32, i32
  }
  func.func @transform_1(%arg0: i32, %arg1: memref<16384xi32, #tpu.memory_space<smem>>) -> (i32, i32) {
    %c0_i32 = arith.constant 0 : i32
    %c0_i32_0 = arith.constant 0 : i32
    return %arg0, %c0_i32 : i32, i32
  }
}

</mosaic_0001>

<sc_bundles>
// kernel: sparse-core-data-format-call.cloned.1.call-start
scs
called_computation_lowered:
.L_overlay_start_0:
0x0: {  	s2 =	sld [smem:$0x3FD9]  }
0x1: {  	s3 =	sld [smem:$0x3FFE];
	_ =	sdelay $0x1  }
0x2: {  	s1 =	srdreg.scid  }
0x3: {  	s0 =	sand.u32 $0x1, s1  }
0x4: {  	s18 =	sshll.u32 s0, $0xA;
	s2 =	sadd.s32 s3, s2  }
0x5: {  	s2 =	sadd.s32 s2, s18  }
0x6: {  	[smem:$0x3FC6] =	sst s2  }
0x7: {  	_ = 	snop  }
0x8: {  	s2 =	sld [smem:$0x3FC8];
	(tm) =	ssettm $0x1  }
0x9: {  	s19 =	sld [smem:$0x3FFB];
	_ =	sdelay $0x3  }
0xa: {  	_ =	strace s19  }
0xb: {  	s3 =	sld [smem:$0x3FFC];
	_ =	sdelay $0x3  }
0xc: {  	_ =	strace s3  }
0xd: {  	s3 =	sld [smem:$0x3FFD];
	_ =	sdelay $0x3  }
0xe: {  	_ =	strace s3  }
0xf: {  	_ =	strace $0x8FFFFFFF  }
0x10: {  	s20 =	sld [smem:$0x3FDB];
	_ =	sdelay $0x1  }
0x11: {  	s4 =	simm.s32 $_scs_section_size  }
0x12: {  	s5 =	simm.s32 $_size__tile_overlayer_lowered;
	s6 =	simm.s32 $_tile_overlayer_lowered  }
0x13: {  	s23 =	simm.s32 $0x1BFF;
	s22 =	sshll.u32 s6, $0x1;
	s3 =	sadd.s32 s4, s20  }
0x14: {  	s7 =	simm.s32 $0x0;
	s21 =	sshll.u32 s5, $0x1;
	s5 =	sadd.s32 s22, s3  }
0x15: {  	[timem:s7], [sflag:s23] =	dma.local [hbm:s5], s21  }
0x16: {  	_ =	swait.ge [sflag:s23], s21  }
0x17: {  	s4 =	ssub.s32 $0x0, s21;
	[sflag:s23] =	ssyncset.done $0x0  }
0x18: {  	[sflag:s23] =	ssyncadd.s32 s4;
	_ =	sdelay $0x1  }
0x19: {  	s24 =	simm.s32 $0x1B8B  }
0x1a: {  	_ =	swait.ge [sflag:s24], $0x1  }
0x1b: {  	[sflag:s24] =	ssyncset.done $0x0  }
0x1c: {  	s26 =	simm.s32 $0x1B8E;
	s25 =	sld [smem:$0x3FFE];
	[sflag:s24] =	ssyncadd.s32 $0xFFFFFFFF  }
0x1d: {  	s27 =	simm.s32 $execute0_lowered;
	[smem:$0x3FD2] =	sst s26  }
0x1e: {  	s5 =	sshll.u32 s27, $0x1;
	_ =	strace $0x80000046;
	[dreg:$0x1] =	wrdreg $0xFFFFFFFF  }
0x1f: {  	s28 =	simm.s32 $_size_execute0_lowered;
	s3 =	sadd.s32 s3, s5;
	[dreg:$0x0] =	wrdreg $0x0  }
0x20: {  	s5 =	sshll.u32 s28, $0x1;
	[dreg:$0x2] =	wrdreg s3  }
0x21: {  	[dreg:$0x3] =	wrdreg s5  }
0x22: {  	[dreg:$0x4] =	wrdreg $0xC0  }
0x23: {  	_ =	task [dreg:s7], $0x5FFFF  }
0x24: {  	[dreg:$0x1] =	wrdreg $0xFFFFFFFF  }
0x25: {  	[dreg:$0x0] =	wrdreg $0x60  }
0x26: {  	[dreg:$0x2] =	wrdreg s2  }
0x27: {  	[dreg:$0x3] =	wrdreg s25  }
0x28: {  	[dreg:$0x4] =	wrdreg $0x9  }
0x29: {  	_ =	task.clear_ibuf [dreg:s7], $0x5FFFF;
	_ =	strace $0x90000046  }
0x2a: {  	s29 =	simm.s32 $0x9;
	_ =	strace $0x80000048  }
0x2b: {  	_ =	swait.ge [sflag:s29], $0x1  }
0x2c: {  	[sflag:s29] =	ssyncadd.s32 $0xFFFFFFFF  }
0x2d: {  	_ =	strace $0x90000048  }
0x2e: {  	_ =	sfence  }
0x2f: {  	s30 =	sld [smem:$0x0];
	_ =	sdelay $0x2  }
0x30: {  	s31 =	sshll.u32 s1, $0xD;
	s1 =	sshrl.u32 s1, $0x2  }
0x31: {  	s3 =	sand.u32 $0x4000, s31;
	s1 =	sadd.s32 s1, s30  }
0x32: {  	s0 =	sor.u32 s3, s0;
	s1 =	sshll.u32 s1, $0x11  }
0x33: {  	s0 =	sor.u32 s1, s0  }
0x34: {  	s0 =	sadd.s32 $0x8F2B, s0  }
0x35: {  	[sflag:s0] =	ssyncadd.remote.s32 $0x1  }
0x36: {  	_ =	sfence.sel $0xFFFF  }
0x37: {  	[dreg:$0x0] =	wrdreg $0xFFFFFFFF;
	(pc) =	sbr.abs _section_cstart, $3  }
0x38: {  	[dreg:$0x1] =	wrdreg $0xFFFFFFFF  }
0x39: {  	_ =	task.clear_ibuf [dreg:s7], $0x2FFFF;
	_ =	strace $0x9FFFFFFF  }
0x3a: {  	(tm) =	ssettm $0x7FFFFFFF  }
0x3b: {  	_ =	shalt  }
tec
execute0_lowered:
.L_overlay_start_1:
0x0: {  	(tag) =	ssettag $0x1  }
0x1: {  	s0 =	srdreg.scid  }
0x2: {  	s1 =	sshll.u32 s0, $0x4  }
0x3: {  	s2 =	rddreg [dreg:$0x0];
	s0 =	stileid.u32;
	s1 =	sand.u32 $0x10, s1  }
0x4: {  	s4 =	rddreg [dreg:$0x1];
	s7 =	simm.s32 $0x1;
	s1 =	sor.u32 s0, s1  }
0x5: {  	s8 =	simm.s32 $0x2;
	s9 =	simm.s32 $0x0;
	s3 =	sshll.u32 s1, $0x1  }
0x6: {  	s12 =	simm.s32 $0x0;
	s11 =	simm.s32 $0x0;
	s6 =	ssub.s32 $0x400, s3  }
.Ltmp0:
0x7: {  	s4 =	sadd.s32 $0x600, s4;
	s5 =	sand.u32 $0x3E, s6;
	(pc) =	sbr.rel .LBB1_1-.Ltmp0, $4  }
0x8: {  	s1 =	rddreg [dreg:$0x2];
	_ =	strace $0x80000047;
	p0 =	sne.s32 s5, $0x0  }
0x9: {  	s6 =	sshrl.u32 s6, $0x6;
	s5 =	simm.s32 $0x1;
	s7 =	simm.s32 @!p0 $0x0  }
0xa: {  	s10 =	smov.u32 s3;
	[sflag:s5] =	ssyncpa.u1 $0x0;
	s6 =	sadd.s32 s7, s6  }
0xb: {  	[sflag:s8] =	ssyncpa.u1 $0x0;
	s8 =	simm.s32 $0x0;
	s7 =	sadd.s32 $0x1, s6  }
.LBB1_9:
0xc: {  	s14 =	sadd.s32 $0x40, s10  }
0xd: {  	p1 =	sgt.s32 s14, $0x3FF  }
0xe: {  	s14 =	smov.u32 @p1 s3;
	p1 =	sne.s32 s11, s7  }
.Ltmp1:
0xf: {  	p0 =	slt.u32 s11, $0x2;
	(pc) =	sbr.rel @!p1 .LBB1_10-.Ltmp1, $4  }
0x10: {  	s13 =	simm.s32 @!p0 $0x2  }
0x11: {  	s15 =	sadd.s32 $0x1, s11;
	_ =	swait.ge @!p0 [sflag:s13], $0x4000  }
0x12: {  	s12 =	smov.u32 s10;
	s9 =	sadd.s32 $0x4000, s9;
	[sflag:s13] =	ssyncset.done @!p0 $0x0  }
0x13: {  	s11 =	smov.u32 s15;
	s10 =	smov.u32 s14;
	[sflag:s13] =	ssyncadd.s32 @!p0 $0xFFFFC000  }
.LBB1_1:
0x14: {  	p0 =	sge.u32 s11, s6  }
0x15: {  	s13 =	sxor.u32 @!p0 $0xFFFFFFFF, s11  }
0x16: {  	s31 =	sadd.s32 $0xFFFFFFFF, s11;
	s14 =	sshll.u32 @!p0 s10, $0xA;
	s13 =	sshll.u32 @!p0 s13, $0xE  }
0x17: {  	s15 =	simm.s32 @!p0 $0x0;
	s14 =	sadd.s32 @!p0 s2, s14;
	s13 =	sand.u32 @!p0 $0x4000, s13  }
0x18: {  	[tilespmem:s13], [sflag:$0x1] =	stream.linear.gather @!p0 [hbm4b:s14+s15], $0x4000, $0x38;
	[tilespmem:$0x10000] =	vst v63  }
0x19: {  	p0 =	sge.u32 s31, s6  }
.Ltmp2:
0x1a: {  	_ = 	snop;
	(pc) =	sbr.rel @p0 .LBB1_9-.Ltmp2, $1  }
0x1b: {  	_ =	sdelay $0x3  }
0x1c: {  	s13 =	sshll.u32 s9, $0x2  }
0x1d: {  	_ =	swait.ge [sflag:s5], $0x4000;
	s14 =	sshll.u32 s11, $0xE;
	s16 =	simm.s32 $0x0  }
0x1e: {  	p1 =	por $0x1, $0x1;
	s13 =	sand.u32 $0x10000, s13;
	[sflag:s5] =	ssyncset.done $0x0  }
0x1f: {  	s14 =	sand.u32 $0x4000, s14;
	s15 =	sshrl.u32 s13, $0x2;
	[sflag:s5] =	ssyncadd.s32 $0xFFFFC000  }
0x20: {  	s13 =	sor.u32 $0x8000, s14;
	s14 =	sadd.s32 $0x8040, s15;
	s15 =	sadd.s32 $0x40, s15  }
.LBB1_3:
0x21: {  	s16 =	sshll.u32 s16, $0x2  }
0x22: {  	p0 =	por p1, p1;
	s17 =	sshra.s32 s16, $0x2  }
0x23: {  	s18 =	simm.s32 $0x0;
	s16 =	sadd.s32 s17, s14;
	s17 =	sadd.s32 s17, s15  }
.LBB1_4:
0x24: {  	v0 =	vmov s17;
	_ =	sdelay $0x3  }
0x25: {  	s20 =	simm.s32 $0x0  }
0x26: {  	v6 =	vld.idx.msk [tilespmem:v0+s20+$0x30 ss:$0x1], $0xffff  }
0x27: {  	v7 =	vld.idx.msk [tilespmem:v0+s20+$0xFFFFFFC0 ss:$0x1], $0xffff  }
0x28: {  	v5 =	vld.idx.msk [tilespmem:v0+s20+$0xFFFFFFD0 ss:$0x1], $0xffff  }
0x29: {  	v4 =	vld.idx.msk [tilespmem:v0+s20+$0xFFFFFFE0 ss:$0x1], $0xffff  }
0x2a: {  	v3 =	vld.idx.msk [tilespmem:v0+s20+$0xFFFFFFF0 ss:$0x1], $0xffff  }
0x2b: {  	v1 =	vld.idx.msk [tilespmem:v0+s20+$0x0 ss:$0x1], $0xffff  }
0x2c: {  	v2 =	vld.idx.msk [tilespmem:v0+s20+$0x10 ss:$0x1], $0xffff;
	[tilespmem:s16+$0x30] =	vst v6  }
0x2d: {  	s19 =	simm.s32 $0x80;
	s21 =	simm.s32 $0x400;
	[tilespmem:s16+$0xFFFFFFC0] =	vst v7;
	v6 =	vld.idx.msk [tilespmem:v0+s20+$0x20 ss:$0x1], $0xffff;
	s20 =	smov.u32 s16  }
.LBB1_5:
0x2e: {  	p1 =	sne.s32 s21, $0xE00;
	v7 =	vld.idx.msk [tilespmem:v0+s19+$0x30 ss:$0x1], $0xffff;
	[tilespmem:s20+$0xFFFFFFD0] =	vst v5  }
0x2f: {  	v8 =	vld.idx.msk [tilespmem:v0+s19+$0xFFFFFFC0 ss:$0x1], $0xffff;
	[tilespmem:s20+$0xFFFFFFE0] =	vst v4  }
0x30: {  	v5 =	vld.idx.msk [tilespmem:v0+s19+$0xFFFFFFD0 ss:$0x1], $0xffff;
	[tilespmem:s20+$0xFFFFFFF0] =	vst v3  }
.Ltmp3:
0x31: {  	v4 =	vld.idx.msk [tilespmem:v0+s19+$0xFFFFFFE0 ss:$0x1], $0xffff;
	[tilespmem:s20+$0x0] =	vst v1;
	(pc) =	sbr.rel @p1 .LBB1_5-.Ltmp3, $4  }
0x32: {  	v3 =	vld.idx.msk [tilespmem:v0+s19+$0xFFFFFFF0 ss:$0x1], $0xffff;
	[tilespmem:s20+$0x10] =	vst v2  }
0x33: {  	v1 =	vld.idx.msk [tilespmem:v0+s19+$0x0 ss:$0x1], $0xffff;
	[tilespmem:s20+$0x20] =	vst v6;
	s20 =	sadd.s32 $0x400, s20  }
0x34: {  	v2 =	vld.idx.msk [tilespmem:v0+s19+$0x10 ss:$0x1], $0xffff;
	[tilespmem:s20+$0x30] =	vst v7  }
0x35: {  	[tilespmem:s20+$0xFFFFFFC0] =	vst v8;
	v6 =	vld.idx.msk [tilespmem:v0+s19+$0x20 ss:$0x1], $0xffff;
	s19 =	sshra.s32 s21, $0x2;
	s21 =	sadd.s32 $0x200, s21  }
0x36: {  	_ =	sdelay $0x2  }
0x37: {  	[tilespmem:s20+$0xFFFFFFD0] =	vst v5  }
0x38: {  	v56 =	vld.idx.msk [tilespmem:v0+s19+$0x30 ss:$0x1], $0xffff;
	[tilespmem:s20+$0xFFFFFFE0] =	vst v4  }
0x39: {  	v57 =	vld.idx.msk [tilespmem:v0+s19+$0xFFFFFFC0 ss:$0x1], $0xffff;
	[tilespmem:s20+$0xFFFFFFF0] =	vst v3  }
0x3a: {  	v58 =	vld.idx.msk [tilespmem:v0+s19+$0xFFFFFFD0 ss:$0x1], $0xffff;
	[tilespmem:s20+$0x0] =	vst v1  }
0x3b: {  	v59 =	vld.idx.msk [tilespmem:v0+s19+$0xFFFFFFE0 ss:$0x1], $0xffff;
	[tilespmem:s20+$0x10] =	vst v2  }
0x3c: {  	v60 =	vld.idx.msk [tilespmem:v0+s19+$0xFFFFFFF0 ss:$0x1], $0xffff;
	s31 =	sadd.s32 $0x400, s20;
	[tilespmem:s20+$0x20] =	vst v6  }
0x3d: {  	v61 =	vld.idx.msk [tilespmem:v0+s19+$0x0 ss:$0x1], $0xffff;
	[tilespmem:s31+$0x30] =	vst v56  }
0x3e: {  	v62 =	vld.idx.msk [tilespmem:v0+s19+$0x10 ss:$0x1], $0xffff;
	s18 =	sadd.s32 $0x1, s18;
	[tilespmem:s31+$0xFFFFFFC0] =	vst v57  }
0x3f: {  	v63 =	vld.idx.msk [tilespmem:v0+s19+$0x20 ss:$0x1], $0xffff;
	p1 =	sne.s32 s18, $0x8;
	[tilespmem:s31+$0xFFFFFFD0] =	vst v58  }
.Ltmp4:
0x40: {  	[tilespmem:s31+$0xFFFFFFE0] =	vst v59;
	(pc) =	sbr.rel @p1 .LBB1_4-.Ltmp4, $4  }
0x41: {  	[tilespmem:s31+$0xFFFFFFF0] =	vst v60  }
0x42: {  	[tilespmem:s31+$0x0] =	vst v61  }
0x43: {  	[tilespmem:s31+$0x10] =	vst v62  }
0x44: {  	s16 =	sadd.s32 $0x80, s16;
	s17 =	sadd.s32 $0x400, s17;
	[tilespmem:s31+$0x20] =	vst v63  }
.Ltmp5:
0x45: {  	(pc) =	sbr.rel @p0 .LBB1_3-.Ltmp5, $2  }
0x46: {  	_ =	sdelay $0x2  }
0x47: {  	s16 =	simm.s32 $0x2000;
	p1 =	por $0x0, $0x0  }
.Ltmp6:
0x48: {  	(pc) =	sbr.rel .LBB1_9-.Ltmp6, $4  }
0x49: {  	_ = 	snop  }
0x4a: {  	s12 =	sshll.u32 s12, $0xA  }
0x4b: {  	s12 =	sadd.s32 s4, s12  }
0x4c: {  	[hbm4b:s12+s8] =	stream.linear.scatter [tilespmem:s13], [sflag:$0x2], $0x4000, $0x38;
	[tilespmem:$0x10000] =	vst v63  }
.LBB1_10:
0x4d: {  	_ =	sfence.sel $0x180000  }
0x4e: {  	s2 =	simm.s32 $0x1;
	[bflag:$0x0] =	sbarrier.arrive $0xFFFF  }
0x4f: {  	s31 =	simm.s32 $0x2;
	[sflag:s2] =	ssyncpa.u1 $0x1  }
0x50: {  	[sflag:s31] =	ssyncpa.u1 $0x1  }
0x51: {  	p0 =	sne.s32 s0, $0x0;
	_ =	strace $0x90000047  }
0x52: {  	s0 =	sadd.s32 @!p0 $0x100000, s1;
	[bflag:$0x2] =	sbarrier.arrive $0xFFFF  }
0x53: {  	[sflag:s0] =	ssyncadd.tile.s32 @!p0 $0x1;
	_ =	shalt  }
.Lfunc_end1:
_tile_overlayer_lowered:
.L_overlay_start_2:
0x54: {  	(tag) =	ssettag $0x2  }
0x55: {  	s0 =	rddreg [dreg:$0x0];
	s2 =	stileid.u32  }
0x56: {  	s1 =	rddreg [dreg:$0x1];
	p0 =	sne.s32 s2, $0x0  }
0x57: {  	s3 =	rddreg [dreg:$0x2];
	[bflag:$0x3] =	sbarrier.arrive $0xFFFF;
	s2 =	simm.s32 @!p0 $0x1C01  }
0x58: {  	[timem:s3], [sflag:s2] =	dma.local @!p0 [hbm:s0], s1  }
0x59: {  	s0 =	simm.s32 @!p0 $0x1  }
0x5a: {  	_ =	swait.ge @!p0 [sflag:s0], s1  }
0x5b: {  	s1 =	ssub.s32 @!p0 $0x0, s1;
	[sflag:s0] =	ssyncset.done @!p0 $0x0  }
0x5c: {  	[sflag:s0] =	ssyncadd.s32 @!p0 s1  }
0x5d: {  	[bflag:$0x3] =	sbarrier.arrive $0xFFFF  }
0x5e: {  	_ =	shalt  }

</sc_bundles>
